<compile_context>
chip_gen: v7x
topology: tpu7x:2x2x1
jax: 0.10.2.dev20260603
libtpu: 0.0.44.dev20260713+nightly
codegen_flags: <defaults>
</compile_context>

<pallas_src>
import functools
import jax
import jax.numpy as jnp
from jax import lax
from jax.experimental import pallas as pl
from jax.experimental.pallas import tpu as pltpu
from jax.experimental.pallas import tpu_sc as plsc

_L = 1024
_UR = 50
_URL = _UR * _L
_UPS = 1000 // _UR
_UNITS = 26 * _UPS
_NW = 32
_MAXT = (_UNITS + _NW - 1) // _NW

_mesh = plsc.VectorSubcoreMesh(core_axis_name="c", subcore_axis_name="s")


@functools.partial(
    pl.kernel,
    out_type=jax.ShapeDtypeStruct((26000 * _L,), jnp.float32),
    mesh=_mesh,
    scratch_types=[
        pltpu.VMEM((2 * _URL,), jnp.float32),
        pltpu.VMEM((_L,), jnp.int32),
        pltpu.SemaphoreType.DMA,
    ],
)
def _sc_one_hot(xt_hbm, out_hbm, buf, xcol, sem):
    w = lax.axis_index("s") * 2 + lax.axis_index("c")

    def step(t, carry):
        u = w + _NW * t

        @pl.when(u < _UNITS)
        def _unit():
            boff = (t % 2) * _URL
            j = u // _UPS
            c0 = (u % _UPS) * _UR
            pltpu.sync_copy(xt_hbm.at[pl.ds(j * _L, _L)], xcol)

            def row_body(local, rc):
                c = c0 + local
                for i in range(_L // 16):
                    xv = xcol[pl.ds(i * 16, 16)]
                    v = jnp.where(xv == c, jnp.float32(1.0), jnp.float32(0.0))
                    buf[pl.ds(boff + local * _L + i * 16, 16)] = v
                return rc

            lax.fori_loop(0, _UR, row_body, 0)

            @pl.when(t >= 1)
            def _wait_prev():
                pltpu.make_async_copy(
                    buf.at[pl.ds(0, _URL)],
                    out_hbm.at[pl.ds(0, _URL)], sem).wait()

            pltpu.async_copy(
                buf.at[pl.ds(boff, _URL)],
                out_hbm.at[pl.ds((j * 1000 + c0) * _L, _URL)], sem)

        return carry

    lax.fori_loop(0, _MAXT, step, 0)
    pltpu.make_async_copy(
        buf.at[pl.ds(0, _URL)], out_hbm.at[pl.ds(0, _URL)], sem).wait()


def kernel(x):
    xt = x.astype(jnp.int32).T.reshape(26 * _L)
    y = _sc_one_hot(xt)
    return jnp.transpose(y.reshape(26, 1000, _L), (2, 0, 1))

# --- scband reference (transcript-rebuilt; emitter-appended) ---
"""Pipeline reference for scband-to-one-hot-34419867910183 (READ-ONLY COPY).

The authoritative reference and input builder live on the scoring server;
editing this copy changes nothing except your own understanding.
"""

import jax, jax.numpy as jnp
import numpy as np

NUM_CLASSES = 1000

def setup_inputs(seed: int = 0) -> dict:
    key = jax.random.key(seed)
    x = jax.random.randint(key, (1024, 26), 0, NUM_CLASSES, dtype=jnp.int64 if jax.config.jax_enable_x64 else jnp.int32)
    return {"x": x}

def reference(x) -> jnp.ndarray:
    # Faithful translation of torch nn.functional.one_hot(x.long(), num_classes).float()
    out = jax.nn.one_hot(x.astype(jnp.int32), NUM_CLASSES, dtype=jnp.float32)
    return out

if __name__ == "__main__":
    import jax
    _d = setup_inputs()
    print(jax.jit(kernel)(*tuple(_d.values())))

</pallas_src>

<mosaic_0001>
#map = affine_map<(d0, d1) -> (0)>
module attributes {stable_mosaic.version = 14 : i64} {
  func.func @_sc_one_hot(%arg0: i32, %arg1: i32, %arg2: memref<26624xi32, #tpu.memory_space<hbm>>, %arg3: memref<26624000xf32, #tpu.memory_space<hbm>>, %arg4: memref<102400xf32, #tpu.memory_space<vmem>>, %arg5: memref<1024xi32, #tpu.memory_space<vmem>>, %arg6: memref<!tpu.dma_semaphore, #tpu.memory_space<semaphore_mem>>) attributes {dimension_semantics = [#tpu.dimension_semantics<core_parallel>, #tpu.dimension_semantics<subcore_parallel>], iteration_bounds = array<i64: 2, 16>, scalar_prefetch = 0 : i64, scratch_operands = 3 : i64, tpu.core_type = #tpu.core_type<sc_vector_subcore>, window_params = [{transform_indices = #map}, {transform_indices = #map}]} {
    %mul3A = arith.constant 2 : i32
    %mul3A_0 = arith.muli %arg1, %mul3A : i32
    %add3A = arith.addi %mul3A_0, %arg0 : i32
    %scan3A = arith.constant 0 : i32
    %scan3A_1 = arith.constant 0 : i32
    %scan3A_2 = arith.constant 17 : i32
    %scan3A_3 = arith.addi %scan3A_1, %scan3A_2 : i32
    %scan3A_4 = arith.constant 1 : i32
    scf.for %scan3A_13 = %scan3A_1 to %scan3A_3 step %scan3A_4  : i32 {
      %mul3A_14 = arith.constant 32 : i32
      %mul3A_15 = arith.muli %mul3A_14, %scan3A_13 : i32
      %add3A_16 = arith.addi %add3A, %mul3A_15 : i32
      %lt3A = arith.constant 520 : i32
      %lt3A_17 = arith.cmpi slt, %add3A_16, %lt3A : i32
      %convert_element_type3A = arith.extui %lt3A_17 : i1 to i32
      %cond3A = arith.constant 0 : i32
      %cond3A_18 = arith.cmpi ne, %convert_element_type3A, %cond3A : i32
      scf.if %cond3A_18 {
        %jit3A = arith.constant 2 : i32
        %eq3A = arith.constant 0 : i32
        %eq3A_19 = arith.cmpi eq, %jit3A, %eq3A : i32
        %jit3A_20 = arith.constant 1 : i32
        %select_n3A = arith.select %eq3A_19, %jit3A_20, %jit3A : i32
        %rem3A = arith.remsi %scan3A_13, %select_n3A : i32
        %ne3A = arith.constant 0 : i32
        %ne3A_21 = arith.cmpi ne, %rem3A, %ne3A : i32
        %lt3A_22 = arith.constant 0 : i32
        %lt3A_23 = arith.cmpi slt, %rem3A, %lt3A_22 : i32
        %lt3A_24 = arith.constant 0 : i32
        %lt3A_25 = arith.cmpi slt, %select_n3A, %lt3A_24 : i32
        %ne3A_26 = arith.xori %lt3A_23, %lt3A_25 : i1
        %and3A = arith.andi %ne3A_26, %ne3A_21 : i1
        %add3A_27 = arith.addi %rem3A, %select_n3A : i32
        %select_n3A_28 = arith.select %and3A, %add3A_27, %rem3A : i32
        %mul3A_29 = arith.constant 51200 : i32
        %mul3A_30 = arith.muli %select_n3A_28, %mul3A_29 : i32
        %jit3A_31 = arith.constant 20 : i32
        %div3A = arith.divsi %add3A_16, %jit3A_31 : i32
        %sign3A = arith.constant 0 : i32
        %sign3A_32 = arith.cmpi sgt, %add3A_16, %sign3A : i32
        %sign3A_33 = arith.extui %sign3A_32 : i1 to i32
        %sign3A_34 = arith.constant 0 : i32
        %sign3A_35 = arith.cmpi slt, %add3A_16, %sign3A_34 : i32
        %sign3A_36 = arith.extui %sign3A_35 : i1 to i32
        %sign3A_37 = arith.subi %sign3A_33, %sign3A_36 : i32
        %sign3A_38 = arith.constant 0 : i32
        %sign3A_39 = arith.cmpi sgt, %jit3A_31, %sign3A_38 : i32
        %sign3A_40 = arith.extui %sign3A_39 : i1 to i32
        %sign3A_41 = arith.constant 0 : i32
        %sign3A_42 = arith.cmpi slt, %jit3A_31, %sign3A_41 : i32
        %sign3A_43 = arith.extui %sign3A_42 : i1 to i32
        %sign3A_44 = arith.subi %sign3A_40, %sign3A_43 : i32
        %ne3A_45 = arith.cmpi ne, %sign3A_37, %sign3A_44 : i32
        %rem3A_46 = arith.remsi %add3A_16, %jit3A_31 : i32
        %ne3A_47 = arith.constant 0 : i32
        %ne3A_48 = arith.cmpi ne, %rem3A_46, %ne3A_47 : i32
        %and3A_49 = arith.andi %ne3A_45, %ne3A_48 : i1
        %sub3A = arith.constant 1 : i32
        %sub3A_50 = arith.subi %div3A, %sub3A : i32
        %select_n3A_51 = arith.select %and3A_49, %sub3A_50, %div3A : i32
        %jit3A_52 = arith.constant 20 : i32
        %eq3A_53 = arith.constant 0 : i32
        %eq3A_54 = arith.cmpi eq, %jit3A_52, %eq3A_53 : i32
        %jit3A_55 = arith.constant 1 : i32
        %select_n3A_56 = arith.select %eq3A_54, %jit3A_55, %jit3A_52 : i32
        %rem3A_57 = arith.remsi %add3A_16, %select_n3A_56 : i32
        %ne3A_58 = arith.constant 0 : i32
        %ne3A_59 = arith.cmpi ne, %rem3A_57, %ne3A_58 : i32
        %lt3A_60 = arith.constant 0 : i32
        %lt3A_61 = arith.cmpi slt, %rem3A_57, %lt3A_60 : i32
        %lt3A_62 = arith.constant 0 : i32
        %lt3A_63 = arith.cmpi slt, %select_n3A_56, %lt3A_62 : i32
        %ne3A_64 = arith.xori %lt3A_61, %lt3A_63 : i1
        %and3A_65 = arith.andi %ne3A_64, %ne3A_59 : i1
        %add3A_66 = arith.addi %rem3A_57, %select_n3A_56 : i32
        %select_n3A_67 = arith.select %and3A_65, %add3A_66, %rem3A_57 : i32
        %mul3A_68 = arith.constant 50 : i32
        %mul3A_69 = arith.muli %select_n3A_67, %mul3A_68 : i32
        %mul3A_70 = arith.constant 1024 : i32
        %mul3A_71 = arith.muli %select_n3A_51, %mul3A_70 : i32
        "tpu.region"() ({
          %run_scoped3A = tpu.sem_alloc : memref<!tpu.dma_semaphore, #tpu.memory_space<semaphore_mem>>
          %dma_start3A_90 = tpu.memref_slice %arg2[%mul3A_71] : memref<26624xi32, #tpu.memory_space<hbm>> -> memref<1024xi32, #tpu.memory_space<hbm>>
          %dma_start3A_91 = tpu.memref_slice %arg2[%mul3A_71] : memref<26624xi32, #tpu.memory_space<hbm>> -> memref<1024xi32, #tpu.memory_space<hbm>>
          tpu.enqueue_dma source(%dma_start3A_91 : memref<1024xi32, #tpu.memory_space<hbm>>) target(%arg5 : memref<1024xi32, #tpu.memory_space<vmem>>) target_semaphore(%run_scoped3A : memref<!tpu.dma_semaphore, #tpu.memory_space<semaphore_mem>>)
          %dma_wait3A_92 = tpu.memref_slice %arg2[%mul3A_71] : memref<26624xi32, #tpu.memory_space<hbm>> -> memref<1024xi32, #tpu.memory_space<hbm>>
          %dma_wait3A_93 = tpu.memref_slice %arg2[%mul3A_71] : memref<26624xi32, #tpu.memory_space<hbm>> -> memref<1024xi32, #tpu.memory_space<hbm>>
          tpu.wait_dma2 semaphore(%run_scoped3A : memref<!tpu.dma_semaphore, #tpu.memory_space<semaphore_mem>>) src(%dma_wait3A_93 : memref<1024xi32, #tpu.memory_space<hbm>>) dst(%arg5 : memref<1024xi32, #tpu.memory_space<vmem>>)
          tpu.yield
        }) : () -> ()
        %scan3A_72 = arith.constant 0 : i32
        %scan3A_73 = arith.constant 0 : i32
        %scan3A_74 = arith.constant 50 : i32
        %scan3A_75 = arith.addi %scan3A_73, %scan3A_74 : i32
        %scan3A_76 = arith.constant 1 : i32
        scf.for %scan3A_90 = %scan3A_73 to %scan3A_75 step %scan3A_76  : i32 {
          %add3A_91 = arith.addi %mul3A_69, %scan3A_90 : i32
          %get3A = arith.constant 0 : index
          %get3A_92 = tpu.vector_load %arg5[%get3A] {strides = array<i32>} : memref<1024xi32, #tpu.memory_space<vmem>>, vector<16xi32>,
          %get3A_93 = vector.shape_cast %get3A_92 : vector<16xi32> to vector<16xi32>
          %eq3A_94 = vector.broadcast %add3A_91 : i32 to vector<16xi32>
          %eq3A_95 = arith.cmpi eq, %get3A_93, %eq3A_94 : vector<16xi32>
          %jit3A_96 = arith.constant 1.000000e+00 : f32
          %jit3A_97 = arith.constant 0.000000e+00 : f32
          %broadcast_in_dim3A = vector.broadcast %jit3A_96 : f32 to vector<16xf32>
          %broadcast_in_dim3A_98 = vector.broadcast %jit3A_97 : f32 to vector<16xf32>
          %select_n3A_99 = arith.select %eq3A_95, %broadcast_in_dim3A, %broadcast_in_dim3A_98 : vector<16xi1>, vector<16xf32>
          %mul3A_100 = arith.constant 1024 : i32
          %mul3A_101 = arith.muli %scan3A_90, %mul3A_100 : i32
          %add3A_102 = arith.addi %mul3A_30, %mul3A_101 : i32
          %add3A_103 = arith.constant 0 : i32
          %add3A_104 = arith.addi %add3A_102, %add3A_103 : i32
          %swap3A = arith.index_cast %add3A_104 : i32 to index
          %swap3A_105 = tpu.vector_load %arg4[%swap3A] {strides = array<i32>} : memref<102400xf32, #tpu.memory_space<vmem>>, vector<16xf32>,
          %swap3A_106 = vector.shape_cast %swap3A_105 : vector<16xf32> to vector<16xf32>
          %swap3A_107 = vector.shape_cast %select_n3A_99 : vector<16xf32> to vector<16xf32>
          tpu.vector_store %arg4[%swap3A], %swap3A_107 {strides = array<i32>} : memref<102400xf32, #tpu.memory_space<vmem>>, vector<16xf32>,
          %get3A_108 = arith.constant 16 : index
          %get3A_109 = tpu.vector_load %arg5[%get3A_108] {strides = array<i32>} : memref<1024xi32, #tpu.memory_space<vmem>>, vector<16xi32>,
          %get3A_110 = vector.shape_cast %get3A_109 : vector<16xi32> to vector<16xi32>
          %eq3A_111 = vector.broadcast %add3A_91 : i32 to vector<16xi32>
          %eq3A_112 = arith.cmpi eq, %get3A_110, %eq3A_111 : vector<16xi32>
          %jit3A_113 = arith.constant 1.000000e+00 : f32
          %jit3A_114 = arith.constant 0.000000e+00 : f32
          %broadcast_in_dim3A_115 = vector.broadcast %jit3A_113 : f32 to vector<16xf32>
          %broadcast_in_dim3A_116 = vector.broadcast %jit3A_114 : f32 to vector<16xf32>
          %select_n3A_117 = arith.select %eq3A_112, %broadcast_in_dim3A_115, %broadcast_in_dim3A_116 : vector<16xi1>, vector<16xf32>
          %mul3A_118 = arith.constant 1024 : i32
          %mul3A_119 = arith.muli %scan3A_90, %mul3A_118 : i32
          %add3A_120 = arith.addi %mul3A_30, %mul3A_119 : i32
          %add3A_121 = arith.constant 16 : i32
          %add3A_122 = arith.addi %add3A_120, %add3A_121 : i32
          %swap3A_123 = arith.index_cast %add3A_122 : i32 to index
          %swap3A_124 = tpu.vector_load %arg4[%swap3A_123] {strides = array<i32>} : memref<102400xf32, #tpu.memory_space<vmem>>, vector<16xf32>,
          %swap3A_125 = vector.shape_cast %swap3A_124 : vector<16xf32> to vector<16xf32>
          %swap3A_126 = vector.shape_cast %select_n3A_117 : vector<16xf32> to vector<16xf32>
          tpu.vector_store %arg4[%swap3A_123], %swap3A_126 {strides = array<i32>} : memref<102400xf32, #tpu.memory_space<vmem>>, vector<16xf32>,
          %get3A_127 = arith.constant 32 : index
          %get3A_128 = tpu.vector_load %arg5[%get3A_127] {strides = array<i32>} : memref<1024xi32, #tpu.memory_space<vmem>>, vector<16xi32>,
          %get3A_129 = vector.shape_cast %get3A_128 : vector<16xi32> to vector<16xi32>
          %eq3A_130 = vector.broadcast %add3A_91 : i32 to vector<16xi32>
          %eq3A_131 = arith.cmpi eq, %get3A_129, %eq3A_130 : vector<16xi32>
          %jit3A_132 = arith.constant 1.000000e+00 : f32
          %jit3A_133 = arith.constant 0.000000e+00 : f32
          %broadcast_in_dim3A_134 = vector.broadcast %jit3A_132 : f32 to vector<16xf32>
          %broadcast_in_dim3A_135 = vector.broadcast %jit3A_133 : f32 to vector<16xf32>
          %select_n3A_136 = arith.select %eq3A_131, %broadcast_in_dim3A_134, %broadcast_in_dim3A_135 : vector<16xi1>, vector<16xf32>
          %mul3A_137 = arith.constant 1024 : i32
          %mul3A_138 = arith.muli %scan3A_90, %mul3A_137 : i32
          %add3A_139 = arith.addi %mul3A_30, %mul3A_138 : i32
          %add3A_140 = arith.constant 32 : i32
          %add3A_141 = arith.addi %add3A_139, %add3A_140 : i32
          %swap3A_142 = arith.index_cast %add3A_141 : i32 to index
          %swap3A_143 = tpu.vector_load %arg4[%swap3A_142] {strides = array<i32>} : memref<102400xf32, #tpu.memory_space<vmem>>, vector<16xf32>,
          %swap3A_144 = vector.shape_cast %swap3A_143 : vector<16xf32> to vector<16xf32>
          %swap3A_145 = vector.shape_cast %select_n3A_136 : vector<16xf32> to vector<16xf32>
          tpu.vector_store %arg4[%swap3A_142], %swap3A_145 {strides = array<i32>} : memref<102400xf32, #tpu.memory_space<vmem>>, vector<16xf32>,
          %get3A_146 = arith.constant 48 : index
          %get3A_147 = tpu.vector_load %arg5[%get3A_146] {strides = array<i32>} : memref<1024xi32, #tpu.memory_space<vmem>>, vector<16xi32>,
          %get3A_148 = vector.shape_cast %get3A_147 : vector<16xi32> to vector<16xi32>
          %eq3A_149 = vector.broadcast %add3A_91 : i32 to vector<16xi32>
          %eq3A_150 = arith.cmpi eq, %get3A_148, %eq3A_149 : vector<16xi32>
          %jit3A_151 = arith.constant 1.000000e+00 : f32
          %jit3A_152 = arith.constant 0.000000e+00 : f32
          %broadcast_in_dim3A_153 = vector.broadcast %jit3A_151 : f32 to vector<16xf32>
          %broadcast_in_dim3A_154 = vector.broadcast %jit3A_152 : f32 to vector<16xf32>
          %select_n3A_155 = arith.select %eq3A_150, %broadcast_in_dim3A_153, %broadcast_in_dim3A_154 : vector<16xi1>, vector<16xf32>
          %mul3A_156 = arith.constant 1024 : i32
          %mul3A_157 = arith.muli %scan3A_90, %mul3A_156 : i32
          %add3A_158 = arith.addi %mul3A_30, %mul3A_157 : i32
          %add3A_159 = arith.constant 48 : i32
          %add3A_160 = arith.addi %add3A_158, %add3A_159 : i32
          %swap3A_161 = arith.index_cast %add3A_160 : i32 to index
          %swap3A_162 = tpu.vector_load %arg4[%swap3A_161] {strides = array<i32>} : memref<102400xf32, #tpu.memory_space<vmem>>, vector<16xf32>,
          %swap3A_163 = vector.shape_cast %swap3A_162 : vector<16xf32> to vector<16xf32>
          %swap3A_164 = vector.shape_cast %select_n3A_155 : vector<16xf32> to vector<16xf32>
          tpu.vector_store %arg4[%swap3A_161], %swap3A_164 {strides = array<i32>} : memref<102400xf32, #tpu.memory_space<vmem>>, vector<16xf32>,
          %get3A_165 = arith.constant 64 : index
          %get3A_166 = tpu.vector_load %arg5[%get3A_165] {strides = array<i32>} : memref<1024xi32, #tpu.memory_space<vmem>>, vector<16xi32>,
          %get3A_167 = vector.shape_cast %get3A_166 : vector<16xi32> to vector<16xi32>
          %eq3A_168 = vector.broadcast %add3A_91 : i32 to vector<16xi32>
          %eq3A_169 = arith.cmpi eq, %get3A_167, %eq3A_168 : vector<16xi32>
          %jit3A_170 = arith.constant 1.000000e+00 : f32
          %jit3A_171 = arith.constant 0.000000e+00 : f32
          %broadcast_in_dim3A_172 = vector.broadcast %jit3A_170 : f32 to vector<16xf32>
          %broadcast_in_dim3A_173 = vector.broadcast %jit3A_171 : f32 to vector<16xf32>
          %select_n3A_174 = arith.select %eq3A_169, %broadcast_in_dim3A_172, %broadcast_in_dim3A_173 : vector<16xi1>, vector<16xf32>
          %mul3A_175 = arith.constant 1024 : i32
          %mul3A_176 = arith.muli %scan3A_90, %mul3A_175 : i32
          %add3A_177 = arith.addi %mul3A_30, %mul3A_176 : i32
          %add3A_178 = arith.constant 64 : i32
          %add3A_179 = arith.addi %add3A_177, %add3A_178 : i32
          %swap3A_180 = arith.index_cast %add3A_179 : i32 to index
          %swap3A_181 = tpu.vector_load %arg4[%swap3A_180] {strides = array<i32>} : memref<102400xf32, #tpu.memory_space<vmem>>, vector<16xf32>,
          %swap3A_182 = vector.shape_cast %swap3A_181 : vector<16xf32> to vector<16xf32>
          %swap3A_183 = vector.shape_cast %select_n3A_174 : vector<16xf32> to vector<16xf32>
          tpu.vector_store %arg4[%swap3A_180], %swap3A_183 {strides = array<i32>} : memref<102400xf32, #tpu.memory_space<vmem>>, vector<16xf32>,
          %get3A_184 = arith.constant 80 : index
          %get3A_185 = tpu.vector_load %arg5[%get3A_184] {strides = array<i32>} : memref<1024xi32, #tpu.memory_space<vmem>>, vector<16xi32>,
          %get3A_186 = vector.shape_cast %get3A_185 : vector<16xi32> to vector<16xi32>
          %eq3A_187 = vector.broadcast %add3A_91 : i32 to vector<16xi32>
          %eq3A_188 = arith.cmpi eq, %get3A_186, %eq3A_187 : vector<16xi32>
          %jit3A_189 = arith.constant 1.000000e+00 : f32
          %jit3A_190 = arith.constant 0.000000e+00 : f32
          %broadcast_in_dim3A_191 = vector.broadcast %jit3A_189 : f32 to vector<16xf32>
          %broadcast_in_dim3A_192 = vector.broadcast %jit3A_190 : f32 to vector<16xf32>
          %select_n3A_193 = arith.select %eq3A_188, %broadcast_in_dim3A_191, %broadcast_in_dim3A_192 : vector<16xi1>, vector<16xf32>
          %mul3A_194 = arith.constant 1024 : i32
          %mul3A_195 = arith.muli %scan3A_90, %mul3A_194 : i32
          %add3A_196 = arith.addi %mul3A_30, %mul3A_195 : i32
          %add3A_197 = arith.constant 80 : i32
          %add3A_198 = arith.addi %add3A_196, %add3A_197 : i32
          %swap3A_199 = arith.index_cast %add3A_198 : i32 to index
          %swap3A_200 = tpu.vector_load %arg4[%swap3A_199] {strides = array<i32>} : memref<102400xf32, #tpu.memory_space<vmem>>, vector<16xf32>,
          %swap3A_201 = vector.shape_cast %swap3A_200 : vector<16xf32> to vector<16xf32>
          %swap3A_202 = vector.shape_cast %select_n3A_193 : vector<16xf32> to vector<16xf32>
          tpu.vector_store %arg4[%swap3A_199], %swap3A_202 {strides = array<i32>} : memref<102400xf32, #tpu.memory_space<vmem>>, vector<16xf32>,
          %get3A_203 = arith.constant 96 : index
          %get3A_204 = tpu.vector_load %arg5[%get3A_203] {strides = array<i32>} : memref<1024xi32, #tpu.memory_space<vmem>>, vector<16xi32>,
          %get3A_205 = vector.shape_cast %get3A_204 : vector<16xi32> to vector<16xi32>
          %eq3A_206 = vector.broadcast %add3A_91 : i32 to vector<16xi32>
          %eq3A_207 = arith.cmpi eq, %get3A_205, %eq3A_206 : vector<16xi32>
          %jit3A_208 = arith.constant 1.000000e+00 : f32
          %jit3A_209 = arith.constant 0.000000e+00 : f32
          %broadcast_in_dim3A_210 = vector.broadcast %jit3A_208 : f32 to vector<16xf32>
          %broadcast_in_dim3A_211 = vector.broadcast %jit3A_209 : f32 to vector<16xf32>
          %select_n3A_212 = arith.select %eq3A_207, %broadcast_in_dim3A_210, %broadcast_in_dim3A_211 : vector<16xi1>, vector<16xf32>
          %mul3A_213 = arith.constant 1024 : i32
          %mul3A_214 = arith.muli %scan3A_90, %mul3A_213 : i32
          %add3A_215 = arith.addi %mul3A_30, %mul3A_214 : i32
          %add3A_216 = arith.constant 96 : i32
          %add3A_217 = arith.addi %add3A_215, %add3A_216 : i32
          %swap3A_218 = arith.index_cast %add3A_217 : i32 to index
          %swap3A_219 = tpu.vector_load %arg4[%swap3A_218] {strides = array<i32>} : memref<102400xf32, #tpu.memory_space<vmem>>, vector<16xf32>,
          %swap3A_220 = vector.shape_cast %swap3A_219 : vector<16xf32> to vector<16xf32>
          %swap3A_221 = vector.shape_cast %select_n3A_212 : vector<16xf32> to vector<16xf32>
          tpu.vector_store %arg4[%swap3A_218], %swap3A_221 {strides = array<i32>} : memref<102400xf32, #tpu.memory_space<vmem>>, vector<16xf32>,
          %get3A_222 = arith.constant 112 : index
          %get3A_223 = tpu.vector_load %arg5[%get3A_222] {strides = array<i32>} : memref<1024xi32, #tpu.memory_space<vmem>>, vector<16xi32>,
          %get3A_224 = vector.shape_cast %get3A_223 : vector<16xi32> to vector<16xi32>
          %eq3A_225 = vector.broadcast %add3A_91 : i32 to vector<16xi32>
          %eq3A_226 = arith.cmpi eq, %get3A_224, %eq3A_225 : vector<16xi32>
          %jit3A_227 = arith.constant 1.000000e+00 : f32
          %jit3A_228 = arith.constant 0.000000e+00 : f32
          %broadcast_in_dim3A_229 = vector.broadcast %jit3A_227 : f32 to vector<16xf32>
          %broadcast_in_dim3A_230 = vector.broadcast %jit3A_228 : f32 to vector<16xf32>
          %select_n3A_231 = arith.select %eq3A_226, %broadcast_in_dim3A_229, %broadcast_in_dim3A_230 : vector<16xi1>, vector<16xf32>
          %mul3A_232 = arith.constant 1024 : i32
          %mul3A_233 = arith.muli %scan3A_90, %mul3A_232 : i32
          %add3A_234 = arith.addi %mul3A_30, %mul3A_233 : i32
          %add3A_235 = arith.constant 112 : i32
          %add3A_236 = arith.addi %add3A_234, %add3A_235 : i32
          %swap3A_237 = arith.index_cast %add3A_236 : i32 to index
          %swap3A_238 = tpu.vector_load %arg4[%swap3A_237] {strides = array<i32>} : memref<102400xf32, #tpu.memory_space<vmem>>, vector<16xf32>,
          %swap3A_239 = vector.shape_cast %swap3A_238 : vector<16xf32> to vector<16xf32>
          %swap3A_240 = vector.shape_cast %select_n3A_231 : vector<16xf32> to vector<16xf32>
          tpu.vector_store %arg4[%swap3A_237], %swap3A_240 {strides = array<i32>} : memref<102400xf32, #tpu.memory_space<vmem>>, vector<16xf32>,
          %get3A_241 = arith.constant 128 : index
          %get3A_242 = tpu.vector_load %arg5[%get3A_241] {strides = array<i32>} : memref<1024xi32, #tpu.memory_space<vmem>>, vector<16xi32>,
          %get3A_243 = vector.shape_cast %get3A_242 : vector<16xi32> to vector<16xi32>
          %eq3A_244 = vector.broadcast %add3A_91 : i32 to vector<16xi32>
          %eq3A_245 = arith.cmpi eq, %get3A_243, %eq3A_244 : vector<16xi32>
          %jit3A_246 = arith.constant 1.000000e+00 : f32
          %jit3A_247 = arith.constant 0.000000e+00 : f32
          %broadcast_in_dim3A_248 = vector.broadcast %jit3A_246 : f32 to vector<16xf32>
          %broadcast_in_dim3A_249 = vector.broadcast %jit3A_247 : f32 to vector<16xf32>
          %select_n3A_250 = arith.select %eq3A_245, %broadcast_in_dim3A_248, %broadcast_in_dim3A_249 : vector<16xi1>, vector<16xf32>
          %mul3A_251 = arith.constant 1024 : i32
          %mul3A_252 = arith.muli %scan3A_90, %mul3A_251 : i32
          %add3A_253 = arith.addi %mul3A_30, %mul3A_252 : i32
          %add3A_254 = arith.constant 128 : i32
          %add3A_255 = arith.addi %add3A_253, %add3A_254 : i32
          %swap3A_256 = arith.index_cast %add3A_255 : i32 to index
          %swap3A_257 = tpu.vector_load %arg4[%swap3A_256] {strides = array<i32>} : memref<102400xf32, #tpu.memory_space<vmem>>, vector<16xf32>,
          %swap3A_258 = vector.shape_cast %swap3A_257 : vector<16xf32> to vector<16xf32>
          %swap3A_259 = vector.shape_cast %select_n3A_250 : vector<16xf32> to vector<16xf32>
          tpu.vector_store %arg4[%swap3A_256], %swap3A_259 {strides = array<i32>} : memref<102400xf32, #tpu.memory_space<vmem>>, vector<16xf32>,
          %get3A_260 = arith.constant 144 : index
          %get3A_261 = tpu.vector_load %arg5[%get3A_260] {strides = array<i32>} : memref<1024xi32, #tpu.memory_space<vmem>>, vector<16xi32>,
          %get3A_262 = vector.shape_cast %get3A_261 : vector<16xi32> to vector<16xi32>
          %eq3A_263 = vector.broadcast %add3A_91 : i32 to vector<16xi32>
          %eq3A_264 = arith.cmpi eq, %get3A_262, %eq3A_263 : vector<16xi32>
          %jit3A_265 = arith.constant 1.000000e+00 : f32
          %jit3A_266 = arith.constant 0.000000e+00 : f32
          %broadcast_in_dim3A_267 = vector.broadcast %jit3A_265 : f32 to vector<16xf32>
          %broadcast_in_dim3A_268 = vector.broadcast %jit3A_266 : f32 to vector<16xf32>
          %select_n3A_269 = arith.select %eq3A_264, %broadcast_in_dim3A_267, %broadcast_in_dim3A_268 : vector<16xi1>, vector<16xf32>
          %mul3A_270 = arith.constant 1024 : i32
          %mul3A_271 = arith.muli %scan3A_90, %mul3A_270 : i32
          %add3A_272 = arith.addi %mul3A_30, %mul3A_271 : i32
          %add3A_273 = arith.constant 144 : i32
          %add3A_274 = arith.addi %add3A_272, %add3A_273 : i32
          %swap3A_275 = arith.index_cast %add3A_274 : i32 to index
          %swap3A_276 = tpu.vector_load %arg4[%swap3A_275] {strides = array<i32>} : memref<102400xf32, #tpu.memory_space<vmem>>, vector<16xf32>,
          %swap3A_277 = vector.shape_cast %swap3A_276 : vector<16xf32> to vector<16xf32>
          %swap3A_278 = vector.shape_cast %select_n3A_269 : vector<16xf32> to vector<16xf32>
          tpu.vector_store %arg4[%swap3A_275], %swap3A_278 {strides = array<i32>} : memref<102400xf32, #tpu.memory_space<vmem>>, vector<16xf32>,
          %get3A_279 = arith.constant 160 : index
          %get3A_280 = tpu.vector_load %arg5[%get3A_279] {strides = array<i32>} : memref<1024xi32, #tpu.memory_space<vmem>>, vector<16xi32>,
          %get3A_281 = vector.shape_cast %get3A_280 : vector<16xi32> to vector<16xi32>
          %eq3A_282 = vector.broadcast %add3A_91 : i32 to vector<16xi32>
          %eq3A_283 = arith.cmpi eq, %get3A_281, %eq3A_282 : vector<16xi32>
          %jit3A_284 = arith.constant 1.000000e+00 : f32
          %jit3A_285 = arith.constant 0.000000e+00 : f32
          %broadcast_in_dim3A_286 = vector.broadcast %jit3A_284 : f32 to vector<16xf32>
          %broadcast_in_dim3A_287 = vector.broadcast %jit3A_285 : f32 to vector<16xf32>
          %select_n3A_288 = arith.select %eq3A_283, %broadcast_in_dim3A_286, %broadcast_in_dim3A_287 : vector<16xi1>, vector<16xf32>
          %mul3A_289 = arith.constant 1024 : i32
          %mul3A_290 = arith.muli %scan3A_90, %mul3A_289 : i32
          %add3A_291 = arith.addi %mul3A_30, %mul3A_290 : i32
          %add3A_292 = arith.constant 160 : i32
          %add3A_293 = arith.addi %add3A_291, %add3A_292 : i32
          %swap3A_294 = arith.index_cast %add3A_293 : i32 to index
          %swap3A_295 = tpu.vector_load %arg4[%swap3A_294] {strides = array<i32>} : memref<102400xf32, #tpu.memory_space<vmem>>, vector<16xf32>,
          %swap3A_296 = vector.shape_cast %swap3A_295 : vector<16xf32> to vector<16xf32>
          %swap3A_297 = vector.shape_cast %select_n3A_288 : vector<16xf32> to vector<16xf32>
          tpu.vector_store %arg4[%swap3A_294], %swap3A_297 {strides = array<i32>} : memref<102400xf32, #tpu.memory_space<vmem>>, vector<16xf32>,
          %get3A_298 = arith.constant 176 : index
          %get3A_299 = tpu.vector_load %arg5[%get3A_298] {strides = array<i32>} : memref<1024xi32, #tpu.memory_space<vmem>>, vector<16xi32>,
          %get3A_300 = vector.shape_cast %get3A_299 : vector<16xi32> to vector<16xi32>
          %eq3A_301 = vector.broadcast %add3A_91 : i32 to vector<16xi32>
          %eq3A_302 = arith.cmpi eq, %get3A_300, %eq3A_301 : vector<16xi32>
          %jit3A_303 = arith.constant 1.000000e+00 : f32
          %jit3A_304 = arith.constant 0.000000e+00 : f32
          %broadcast_in_dim3A_305 = vector.broadcast %jit3A_303 : f32 to vector<16xf32>
          %broadcast_in_dim3A_306 = vector.broadcast %jit3A_304 : f32 to vector<16xf32>
          %select_n3A_307 = arith.select %eq3A_302, %broadcast_in_dim3A_305, %broadcast_in_dim3A_306 : vector<16xi1>, vector<16xf32>
          %mul3A_308 = arith.constant 1024 : i32
          %mul3A_309 = arith.muli %scan3A_90, %mul3A_308 : i32
          %add3A_310 = arith.addi %mul3A_30, %mul3A_309 : i32
          %add3A_311 = arith.constant 176 : i32
          %add3A_312 = arith.addi %add3A_310, %add3A_311 : i32
          %swap3A_313 = arith.index_cast %add3A_312 : i32 to index
          %swap3A_314 = tpu.vector_load %arg4[%swap3A_313] {strides = array<i32>} : memref<102400xf32, #tpu.memory_space<vmem>>, vector<16xf32>,
          %swap3A_315 = vector.shape_cast %swap3A_314 : vector<16xf32> to vector<16xf32>
          %swap3A_316 = vector.shape_cast %select_n3A_307 : vector<16xf32> to vector<16xf32>
          tpu.vector_store %arg4[%swap3A_313], %swap3A_316 {strides = array<i32>} : memref<102400xf32, #tpu.memory_space<vmem>>, vector<16xf32>,
          %get3A_317 = arith.constant 192 : index
          %get3A_318 = tpu.vector_load %arg5[%get3A_317] {strides = array<i32>} : memref<1024xi32, #tpu.memory_space<vmem>>, vector<16xi32>,
          %get3A_319 = vector.shape_cast %get3A_318 : vector<16xi32> to vector<16xi32>
          %eq3A_320 = vector.broadcast %add3A_91 : i32 to vector<16xi32>
          %eq3A_321 = arith.cmpi eq, %get3A_319, %eq3A_320 : vector<16xi32>
          %jit3A_322 = arith.constant 1.000000e+00 : f32
          %jit3A_323 = arith.constant 0.000000e+00 : f32
          %broadcast_in_dim3A_324 = vector.broadcast %jit3A_322 : f32 to vector<16xf32>
          %broadcast_in_dim3A_325 = vector.broadcast %jit3A_323 : f32 to vector<16xf32>
          %select_n3A_326 = arith.select %eq3A_321, %broadcast_in_dim3A_324, %broadcast_in_dim3A_325 : vector<16xi1>, vector<16xf32>
          %mul3A_327 = arith.constant 1024 : i32
          %mul3A_328 = arith.muli %scan3A_90, %mul3A_327 : i32
          %add3A_329 = arith.addi %mul3A_30, %mul3A_328 : i32
          %add3A_330 = arith.constant 192 : i32
          %add3A_331 = arith.addi %add3A_329, %add3A_330 : i32
          %swap3A_332 = arith.index_cast %add3A_331 : i32 to index
          %swap3A_333 = tpu.vector_load %arg4[%swap3A_332] {strides = array<i32>} : memref<102400xf32, #tpu.memory_space<vmem>>, vector<16xf32>,
          %swap3A_334 = vector.shape_cast %swap3A_333 : vector<16xf32> to vector<16xf32>
          %swap3A_335 = vector.shape_cast %select_n3A_326 : vector<16xf32> to vector<16xf32>
          tpu.vector_store %arg4[%swap3A_332], %swap3A_335 {strides = array<i32>} : memref<102400xf32, #tpu.memory_space<vmem>>, vector<16xf32>,
          %get3A_336 = arith.constant 208 : index
          %get3A_337 = tpu.vector_load %arg5[%get3A_336] {strides = array<i32>} : memref<1024xi32, #tpu.memory_space<vmem>>, vector<16xi32>,
          %get3A_338 = vector.shape_cast %get3A_337 : vector<16xi32> to vector<16xi32>
          %eq3A_339 = vector.broadcast %add3A_91 : i32 to vector<16xi32>
          %eq3A_340 = arith.cmpi eq, %get3A_338, %eq3A_339 : vector<16xi32>
          %jit3A_341 = arith.constant 1.000000e+00 : f32
          %jit3A_342 = arith.constant 0.000000e+00 : f32
          %broadcast_in_dim3A_343 = vector.broadcast %jit3A_341 : f32 to vector<16xf32>
          %broadcast_in_dim3A_344 = vector.broadcast %jit3A_342 : f32 to vector<16xf32>
          %select_n3A_345 = arith.select %eq3A_340, %broadcast_in_dim3A_343, %broadcast_in_dim3A_344 : vector<16xi1>, vector<16xf32>
          %mul3A_346 = arith.constant 1024 : i32
          %mul3A_347 = arith.muli %scan3A_90, %mul3A_346 : i32
          %add3A_348 = arith.addi %mul3A_30, %mul3A_347 : i32
          %add3A_349 = arith.constant 208 : i32
          %add3A_350 = arith.addi %add3A_348, %add3A_349 : i32
          %swap3A_351 = arith.index_cast %add3A_350 : i32 to index
          %swap3A_352 = tpu.vector_load %arg4[%swap3A_351] {strides = array<i32>} : memref<102400xf32, #tpu.memory_space<vmem>>, vector<16xf32>,
          %swap3A_353 = vector.shape_cast %swap3A_352 : vector<16xf32> to vector<16xf32>
          %swap3A_354 = vector.shape_cast %select_n3A_345 : vector<16xf32> to vector<16xf32>
          tpu.vector_store %arg4[%swap3A_351], %swap3A_354 {strides = array<i32>} : memref<102400xf32, #tpu.memory_space<vmem>>, vector<16xf32>,
          %get3A_355 = arith.constant 224 : index
          %get3A_356 = tpu.vector_load %arg5[%get3A_355] {strides = array<i32>} : memref<1024xi32, #tpu.memory_space<vmem>>, vector<16xi32>,
          %get3A_357 = vector.shape_cast %get3A_356 : vector<16xi32> to vector<16xi32>
          %eq3A_358 = vector.broadcast %add3A_91 : i32 to vector<16xi32>
          %eq3A_359 = arith.cmpi eq, %get3A_357, %eq3A_358 : vector<16xi32>
          %jit3A_360 = arith.constant 1.000000e+00 : f32
          %jit3A_361 = arith.constant 0.000000e+00 : f32
          %broadcast_in_dim3A_362 = vector.broadcast %jit3A_360 : f32 to vector<16xf32>
          %broadcast_in_dim3A_363 = vector.broadcast %jit3A_361 : f32 to vector<16xf32>
          %select_n3A_364 = arith.select %eq3A_359, %broadcast_in_dim3A_362, %broadcast_in_dim3A_363 : vector<16xi1>, vector<16xf32>
          %mul3A_365 = arith.constant 1024 : i32
          %mul3A_366 = arith.muli %scan3A_90, %mul3A_365 : i32
          %add3A_367 = arith.addi %mul3A_30, %mul3A_366 : i32
          %add3A_368 = arith.constant 224 : i32
          %add3A_369 = arith.addi %add3A_367, %add3A_368 : i32
          %swap3A_370 = arith.index_cast %add3A_369 : i32 to index
          %swap3A_371 = tpu.vector_load %arg4[%swap3A_370] {strides = array<i32>} : memref<102400xf32, #tpu.memory_space<vmem>>, vector<16xf32>,
          %swap3A_372 = vector.shape_cast %swap3A_371 : vector<16xf32> to vector<16xf32>
          %swap3A_373 = vector.shape_cast %select_n3A_364 : vector<16xf32> to vector<16xf32>
          tpu.vector_store %arg4[%swap3A_370], %swap3A_373 {strides = array<i32>} : memref<102400xf32, #tpu.memory_space<vmem>>, vector<16xf32>,
          %get3A_374 = arith.constant 240 : index
          %get3A_375 = tpu.vector_load %arg5[%get3A_374] {strides = array<i32>} : memref<1024xi32, #tpu.memory_space<vmem>>, vector<16xi32>,
          %get3A_376 = vector.shape_cast %get3A_375 : vector<16xi32> to vector<16xi32>
          %eq3A_377 = vector.broadcast %add3A_91 : i32 to vector<16xi32>
          %eq3A_378 = arith.cmpi eq, %get3A_376, %eq3A_377 : vector<16xi32>
          %jit3A_379 = arith.constant 1.000000e+00 : f32
          %jit3A_380 = arith.constant 0.000000e+00 : f32
          %broadcast_in_dim3A_381 = vector.broadcast %jit3A_379 : f32 to vector<16xf32>
          %broadcast_in_dim3A_382 = vector.broadcast %jit3A_380 : f32 to vector<16xf32>
          %select_n3A_383 = arith.select %eq3A_378, %broadcast_in_dim3A_381, %broadcast_in_dim3A_382 : vector<16xi1>, vector<16xf32>
          %mul3A_384 = arith.constant 1024 : i32
          %mul3A_385 = arith.muli %scan3A_90, %mul3A_384 : i32
          %add3A_386 = arith.addi %mul3A_30, %mul3A_385 : i32
          %add3A_387 = arith.constant 240 : i32
          %add3A_388 = arith.addi %add3A_386, %add3A_387 : i32
          %swap3A_389 = arith.index_cast %add3A_388 : i32 to index
          %swap3A_390 = tpu.vector_load %arg4[%swap3A_389] {strides = array<i32>} : memref<102400xf32, #tpu.memory_space<vmem>>, vector<16xf32>,
          %swap3A_391 = vector.shape_cast %swap3A_390 : vector<16xf32> to vector<16xf32>
          %swap3A_392 = vector.shape_cast %select_n3A_383 : vector<16xf32> to vector<16xf32>
          tpu.vector_store %arg4[%swap3A_389], %swap3A_392 {strides = array<i32>} : memref<102400xf32, #tpu.memory_space<vmem>>, vector<16xf32>,
          %get3A_393 = arith.constant 256 : index
          %get3A_394 = tpu.vector_load %arg5[%get3A_393] {strides = array<i32>} : memref<1024xi32, #tpu.memory_space<vmem>>, vector<16xi32>,
          %get3A_395 = vector.shape_cast %get3A_394 : vector<16xi32> to vector<16xi32>
          %eq3A_396 = vector.broadcast %add3A_91 : i32 to vector<16xi32>
          %eq3A_397 = arith.cmpi eq, %get3A_395, %eq3A_396 : vector<16xi32>
          %jit3A_398 = arith.constant 1.000000e+00 : f32
          %jit3A_399 = arith.constant 0.000000e+00 : f32
          %broadcast_in_dim3A_400 = vector.broadcast %jit3A_398 : f32 to vector<16xf32>
          %broadcast_in_dim3A_401 = vector.broadcast %jit3A_399 : f32 to vector<16xf32>
          %select_n3A_402 = arith.select %eq3A_397, %broadcast_in_dim3A_400, %broadcast_in_dim3A_401 : vector<16xi1>, vector<16xf32>
          %mul3A_403 = arith.constant 1024 : i32
          %mul3A_404 = arith.muli %scan3A_90, %mul3A_403 : i32
          %add3A_405 = arith.addi %mul3A_30, %mul3A_404 : i32
          %add3A_406 = arith.constant 256 : i32
          %add3A_407 = arith.addi %add3A_405, %add3A_406 : i32
          %swap3A_408 = arith.index_cast %add3A_407 : i32 to index
          %swap3A_409 = tpu.vector_load %arg4[%swap3A_408] {strides = array<i32>} : memref<102400xf32, #tpu.memory_space<vmem>>, vector<16xf32>,
          %swap3A_410 = vector.shape_cast %swap3A_409 : vector<16xf32> to vector<16xf32>
          %swap3A_411 = vector.shape_cast %select_n3A_402 : vector<16xf32> to vector<16xf32>
          tpu.vector_store %arg4[%swap3A_408], %swap3A_411 {strides = array<i32>} : memref<102400xf32, #tpu.memory_space<vmem>>, vector<16xf32>,
          %get3A_412 = arith.constant 272 : index
          %get3A_413 = tpu.vector_load %arg5[%get3A_412] {strides = array<i32>} : memref<1024xi32, #tpu.memory_space<vmem>>, vector<16xi32>,
          %get3A_414 = vector.shape_cast %get3A_413 : vector<16xi32> to vector<16xi32>
          %eq3A_415 = vector.broadcast %add3A_91 : i32 to vector<16xi32>
          %eq3A_416 = arith.cmpi eq, %get3A_414, %eq3A_415 : vector<16xi32>
          %jit3A_417 = arith.constant 1.000000e+00 : f32
          %jit3A_418 = arith.constant 0.000000e+00 : f32
          %broadcast_in_dim3A_419 = vector.broadcast %jit3A_417 : f32 to vector<16xf32>
          %broadcast_in_dim3A_420 = vector.broadcast %jit3A_418 : f32 to vector<16xf32>
          %select_n3A_421 = arith.select %eq3A_416, %broadcast_in_dim3A_419, %broadcast_in_dim3A_420 : vector<16xi1>, vector<16xf32>
          %mul3A_422 = arith.constant 1024 : i32
          %mul3A_423 = arith.muli %scan3A_90, %mul3A_422 : i32
          %add3A_424 = arith.addi %mul3A_30, %mul3A_423 : i32
          %add3A_425 = arith.constant 272 : i32
          %add3A_426 = arith.addi %add3A_424, %add3A_425 : i32
          %swap3A_427 = arith.index_cast %add3A_426 : i32 to index
          %swap3A_428 = tpu.vector_load %arg4[%swap3A_427] {strides = array<i32>} : memref<102400xf32, #tpu.memory_space<vmem>>, vector<16xf32>,
          %swap3A_429 = vector.shape_cast %swap3A_428 : vector<16xf32> to vector<16xf32>
          %swap3A_430 = vector.shape_cast %select_n3A_421 : vector<16xf32> to vector<16xf32>
          tpu.vector_store %arg4[%swap3A_427], %swap3A_430 {strides = array<i32>} : memref<102400xf32, #tpu.memory_space<vmem>>, vector<16xf32>,
          %get3A_431 = arith.constant 288 : index
          %get3A_432 = tpu.vector_load %arg5[%get3A_431] {strides = array<i32>} : memref<1024xi32, #tpu.memory_space<vmem>>, vector<16xi32>,
          %get3A_433 = vector.shape_cast %get3A_432 : vector<16xi32> to vector<16xi32>
          %eq3A_434 = vector.broadcast %add3A_91 : i32 to vector<16xi32>
          %eq3A_435 = arith.cmpi eq, %get3A_433, %eq3A_434 : vector<16xi32>
          %jit3A_436 = arith.constant 1.000000e+00 : f32
          %jit3A_437 = arith.constant 0.000000e+00 : f32
          %broadcast_in_dim3A_438 = vector.broadcast %jit3A_436 : f32 to vector<16xf32>
          %broadcast_in_dim3A_439 = vector.broadcast %jit3A_437 : f32 to vector<16xf32>
          %select_n3A_440 = arith.select %eq3A_435, %broadcast_in_dim3A_438, %broadcast_in_dim3A_439 : vector<16xi1>, vector<16xf32>
          %mul3A_441 = arith.constant 1024 : i32
          %mul3A_442 = arith.muli %scan3A_90, %mul3A_441 : i32
          %add3A_443 = arith.addi %mul3A_30, %mul3A_442 : i32
          %add3A_444 = arith.constant 288 : i32
          %add3A_445 = arith.addi %add3A_443, %add3A_444 : i32
          %swap3A_446 = arith.index_cast %add3A_445 : i32 to index
          %swap3A_447 = tpu.vector_load %arg4[%swap3A_446] {strides = array<i32>} : memref<102400xf32, #tpu.memory_space<vmem>>, vector<16xf32>,
          %swap3A_448 = vector.shape_cast %swap3A_447 : vector<16xf32> to vector<16xf32>
          %swap3A_449 = vector.shape_cast %select_n3A_440 : vector<16xf32> to vector<16xf32>
          tpu.vector_store %arg4[%swap3A_446], %swap3A_449 {strides = array<i32>} : memref<102400xf32, #tpu.memory_space<vmem>>, vector<16xf32>,
          %get3A_450 = arith.constant 304 : index
          %get3A_451 = tpu.vector_load %arg5[%get3A_450] {strides = array<i32>} : memref<1024xi32, #tpu.memory_space<vmem>>, vector<16xi32>,
          %get3A_452 = vector.shape_cast %get3A_451 : vector<16xi32> to vector<16xi32>
          %eq3A_453 = vector.broadcast %add3A_91 : i32 to vector<16xi32>
          %eq3A_454 = arith.cmpi eq, %get3A_452, %eq3A_453 : vector<16xi32>
          %jit3A_455 = arith.constant 1.000000e+00 : f32
          %jit3A_456 = arith.constant 0.000000e+00 : f32
          %broadcast_in_dim3A_457 = vector.broadcast %jit3A_455 : f32 to vector<16xf32>
          %broadcast_in_dim3A_458 = vector.broadcast %jit3A_456 : f32 to vector<16xf32>
          %select_n3A_459 = arith.select %eq3A_454, %broadcast_in_dim3A_457, %broadcast_in_dim3A_458 : vector<16xi1>, vector<16xf32>
          %mul3A_460 = arith.constant 1024 : i32
          %mul3A_461 = arith.muli %scan3A_90, %mul3A_460 : i32
          %add3A_462 = arith.addi %mul3A_30, %mul3A_461 : i32
          %add3A_463 = arith.constant 304 : i32
          %add3A_464 = arith.addi %add3A_462, %add3A_463 : i32
          %swap3A_465 = arith.index_cast %add3A_464 : i32 to index
          %swap3A_466 = tpu.vector_load %arg4[%swap3A_465] {strides = array<i32>} : memref<102400xf32, #tpu.memory_space<vmem>>, vector<16xf32>,
          %swap3A_467 = vector.shape_cast %swap3A_466 : vector<16xf32> to vector<16xf32>
          %swap3A_468 = vector.shape_cast %select_n3A_459 : vector<16xf32> to vector<16xf32>
          tpu.vector_store %arg4[%swap3A_465], %swap3A_468 {strides = array<i32>} : memref<102400xf32, #tpu.memory_space<vmem>>, vector<16xf32>,
          %get3A_469 = arith.constant 320 : index
          %get3A_470 = tpu.vector_load %arg5[%get3A_469] {strides = array<i32>} : memref<1024xi32, #tpu.memory_space<vmem>>, vector<16xi32>,
          %get3A_471 = vector.shape_cast %get3A_470 : vector<16xi32> to vector<16xi32>
          %eq3A_472 = vector.broadcast %add3A_91 : i32 to vector<16xi32>
          %eq3A_473 = arith.cmpi eq, %get3A_471, %eq3A_472 : vector<16xi32>
          %jit3A_474 = arith.constant 1.000000e+00 : f32
          %jit3A_475 = arith.constant 0.000000e+00 : f32
          %broadcast_in_dim3A_476 = vector.broadcast %jit3A_474 : f32 to vector<16xf32>
          %broadcast_in_dim3A_477 = vector.broadcast %jit3A_475 : f32 to vector<16xf32>
          %select_n3A_478 = arith.select %eq3A_473, %broadcast_in_dim3A_476, %broadcast_in_dim3A_477 : vector<16xi1>, vector<16xf32>
          %mul3A_479 = arith.constant 1024 : i32
          %mul3A_480 = arith.muli %scan3A_90, %mul3A_479 : i32
          %add3A_481 = arith.addi %mul3A_30, %mul3A_480 : i32
          %add3A_482 = arith.constant 320 : i32
          %add3A_483 = arith.addi %add3A_481, %add3A_482 : i32
          %swap3A_484 = arith.index_cast %add3A_483 : i32 to index
          %swap3A_485 = tpu.vector_load %arg4[%swap3A_484] {strides = array<i32>} : memref<102400xf32, #tpu.memory_space<vmem>>, vector<16xf32>,
          %swap3A_486 = vector.shape_cast %swap3A_485 : vector<16xf32> to vector<16xf32>
          %swap3A_487 = vector.shape_cast %select_n3A_478 : vector<16xf32> to vector<16xf32>
          tpu.vector_store %arg4[%swap3A_484], %swap3A_487 {strides = array<i32>} : memref<102400xf32, #tpu.memory_space<vmem>>, vector<16xf32>,
          %get3A_488 = arith.constant 336 : index
          %get3A_489 = tpu.vector_load %arg5[%get3A_488] {strides = array<i32>} : memref<1024xi32, #tpu.memory_space<vmem>>, vector<16xi32>,
          %get3A_490 = vector.shape_cast %get3A_489 : vector<16xi32> to vector<16xi32>
          %eq3A_491 = vector.broadcast %add3A_91 : i32 to vector<16xi32>
          %eq3A_492 = arith.cmpi eq, %get3A_490, %eq3A_491 : vector<16xi32>
          %jit3A_493 = arith.constant 1.000000e+00 : f32
          %jit3A_494 = arith.constant 0.000000e+00 : f32
          %broadcast_in_dim3A_495 = vector.broadcast %jit3A_493 : f32 to vector<16xf32>
          %broadcast_in_dim3A_496 = vector.broadcast %jit3A_494 : f32 to vector<16xf32>
          %select_n3A_497 = arith.select %eq3A_492, %broadcast_in_dim3A_495, %broadcast_in_dim3A_496 : vector<16xi1>, vector<16xf32>
          %mul3A_498 = arith.constant 1024 : i32
          %mul3A_499 = arith.muli %scan3A_90, %mul3A_498 : i32
          %add3A_500 = arith.addi %mul3A_30, %mul3A_499 : i32
          %add3A_501 = arith.constant 336 : i32
          %add3A_502 = arith.addi %add3A_500, %add3A_501 : i32
          %swap3A_503 = arith.index_cast %add3A_502 : i32 to index
          %swap3A_504 = tpu.vector_load %arg4[%swap3A_503] {strides = array<i32>} : memref<102400xf32, #tpu.memory_space<vmem>>, vector<16xf32>,
          %swap3A_505 = vector.shape_cast %swap3A_504 : vector<16xf32> to vector<16xf32>
          %swap3A_506 = vector.shape_cast %select_n3A_497 : vector<16xf32> to vector<16xf32>
          tpu.vector_store %arg4[%swap3A_503], %swap3A_506 {strides = array<i32>} : memref<102400xf32, #tpu.memory_space<vmem>>, vector<16xf32>,
          %get3A_507 = arith.constant 352 : index
          %get3A_508 = tpu.vector_load %arg5[%get3A_507] {strides = array<i32>} : memref<1024xi32, #tpu.memory_space<vmem>>, vector<16xi32>,
          %get3A_509 = vector.shape_cast %get3A_508 : vector<16xi32> to vector<16xi32>
          %eq3A_510 = vector.broadcast %add3A_91 : i32 to vector<16xi32>
          %eq3A_511 = arith.cmpi eq, %get3A_509, %eq3A_510 : vector<16xi32>
          %jit3A_512 = arith.constant 1.000000e+00 : f32
          %jit3A_513 = arith.constant 0.000000e+00 : f32
          %broadcast_in_dim3A_514 = vector.broadcast %jit3A_512 : f32 to vector<16xf32>
          %broadcast_in_dim3A_515 = vector.broadcast %jit3A_513 : f32 to vector<16xf32>
          %select_n3A_516 = arith.select %eq3A_511, %broadcast_in_dim3A_514, %broadcast_in_dim3A_515 : vector<16xi1>, vector<16xf32>
          %mul3A_517 = arith.constant 1024 : i32
          %mul3A_518 = arith.muli %scan3A_90, %mul3A_517 : i32
          %add3A_519 = arith.addi %mul3A_30, %mul3A_518 : i32
          %add3A_520 = arith.constant 352 : i32
          %add3A_521 = arith.addi %add3A_519, %add3A_520 : i32
          %swap3A_522 = arith.index_cast %add3A_521 : i32 to index
          %swap3A_523 = tpu.vector_load %arg4[%swap3A_522] {strides = array<i32>} : memref<102400xf32, #tpu.memory_space<vmem>>, vector<16xf32>,
          %swap3A_524 = vector.shape_cast %swap3A_523 : vector<16xf32> to vector<16xf32>
          %swap3A_525 = vector.shape_cast %select_n3A_516 : vector<16xf32> to vector<16xf32>
          tpu.vector_store %arg4[%swap3A_522], %swap3A_525 {strides = array<i32>} : memref<102400xf32, #tpu.memory_space<vmem>>, vector<16xf32>,
          %get3A_526 = arith.constant 368 : index
          %get3A_527 = tpu.vector_load %arg5[%get3A_526] {strides = array<i32>} : memref<1024xi32, #tpu.memory_space<vmem>>, vector<16xi32>,
          %get3A_528 = vector.shape_cast %get3A_527 : vector<16xi32> to vector<16xi32>
          %eq3A_529 = vector.broadcast %add3A_91 : i32 to vector<16xi32>
          %eq3A_530 = arith.cmpi eq, %get3A_528, %eq3A_529 : vector<16xi32>
          %jit3A_531 = arith.constant 1.000000e+00 : f32
          %jit3A_532 = arith.constant 0.000000e+00 : f32
          %broadcast_in_dim3A_533 = vector.broadcast %jit3A_531 : f32 to vector<16xf32>
          %broadcast_in_dim3A_534 = vector.broadcast %jit3A_532 : f32 to vector<16xf32>
          %select_n3A_535 = arith.select %eq3A_530, %broadcast_in_dim3A_533, %broadcast_in_dim3A_534 : vector<16xi1>, vector<16xf32>
          %mul3A_536 = arith.constant 1024 : i32
          %mul3A_537 = arith.muli %scan3A_90, %mul3A_536 : i32
          %add3A_538 = arith.addi %mul3A_30, %mul3A_537 : i32
          %add3A_539 = arith.constant 368 : i32
          %add3A_540 = arith.addi %add3A_538, %add3A_539 : i32
          %swap3A_541 = arith.index_cast %add3A_540 : i32 to index
          %swap3A_542 = tpu.vector_load %arg4[%swap3A_541] {strides = array<i32>} : memref<102400xf32, #tpu.memory_space<vmem>>, vector<16xf32>,
          %swap3A_543 = vector.shape_cast %swap3A_542 : vector<16xf32> to vector<16xf32>
          %swap3A_544 = vector.shape_cast %select_n3A_535 : vector<16xf32> to vector<16xf32>
          tpu.vector_store %arg4[%swap3A_541], %swap3A_544 {strides = array<i32>} : memref<102400xf32, #tpu.memory_space<vmem>>, vector<16xf32>,
          %get3A_545 = arith.constant 384 : index
          %get3A_546 = tpu.vector_load %arg5[%get3A_545] {strides = array<i32>} : memref<1024xi32, #tpu.memory_space<vmem>>, vector<16xi32>,
          %get3A_547 = vector.shape_cast %get3A_546 : vector<16xi32> to vector<16xi32>
          %eq3A_548 = vector.broadcast %add3A_91 : i32 to vector<16xi32>
          %eq3A_549 = arith.cmpi eq, %get3A_547, %eq3A_548 : vector<16xi32>
          %jit3A_550 = arith.constant 1.000000e+00 : f32
          %jit3A_551 = arith.constant 0.000000e+00 : f32
          %broadcast_in_dim3A_552 = vector.broadcast %jit3A_550 : f32 to vector<16xf32>
          %broadcast_in_dim3A_553 = vector.broadcast %jit3A_551 : f32 to vector<16xf32>
          %select_n3A_554 = arith.select %eq3A_549, %broadcast_in_dim3A_552, %broadcast_in_dim3A_553 : vector<16xi1>, vector<16xf32>
          %mul3A_555 = arith.constant 1024 : i32
          %mul3A_556 = arith.muli %scan3A_90, %mul3A_555 : i32
          %add3A_557 = arith.addi %mul3A_30, %mul3A_556 : i32
          %add3A_558 = arith.constant 384 : i32
          %add3A_559 = arith.addi %add3A_557, %add3A_558 : i32
          %swap3A_560 = arith.index_cast %add3A_559 : i32 to index
          %swap3A_561 = tpu.vector_load %arg4[%swap3A_560] {strides = array<i32>} : memref<102400xf32, #tpu.memory_space<vmem>>, vector<16xf32>,
          %swap3A_562 = vector.shape_cast %swap3A_561 : vector<16xf32> to vector<16xf32>
          %swap3A_563 = vector.shape_cast %select_n3A_554 : vector<16xf32> to vector<16xf32>
          tpu.vector_store %arg4[%swap3A_560], %swap3A_563 {strides = array<i32>} : memref<102400xf32, #tpu.memory_space<vmem>>, vector<16xf32>,
          %get3A_564 = arith.constant 400 : index
          %get3A_565 = tpu.vector_load %arg5[%get3A_564] {strides = array<i32>} : memref<1024xi32, #tpu.memory_space<vmem>>, vector<16xi32>,
          %get3A_566 = vector.shape_cast %get3A_565 : vector<16xi32> to vector<16xi32>
          %eq3A_567 = vector.broadcast %add3A_91 : i32 to vector<16xi32>
          %eq3A_568 = arith.cmpi eq, %get3A_566, %eq3A_567 : vector<16xi32>
          %jit3A_569 = arith.constant 1.000000e+00 : f32
          %jit3A_570 = arith.constant 0.000000e+00 : f32
          %broadcast_in_dim3A_571 = vector.broadcast %jit3A_569 : f32 to vector<16xf32>
          %broadcast_in_dim3A_572 = vector.broadcast %jit3A_570 : f32 to vector<16xf32>
          %select_n3A_573 = arith.select %eq3A_568, %broadcast_in_dim3A_571, %broadcast_in_dim3A_572 : vector<16xi1>, vector<16xf32>
          %mul3A_574 = arith.constant 1024 : i32
          %mul3A_575 = arith.muli %scan3A_90, %mul3A_574 : i32
          %add3A_576 = arith.addi %mul3A_30, %mul3A_575 : i32
          %add3A_577 = arith.constant 400 : i32
          %add3A_578 = arith.addi %add3A_576, %add3A_577 : i32
          %swap3A_579 = arith.index_cast %add3A_578 : i32 to index
          %swap3A_580 = tpu.vector_load %arg4[%swap3A_579] {strides = array<i32>} : memref<102400xf32, #tpu.memory_space<vmem>>, vector<16xf32>,
          %swap3A_581 = vector.shape_cast %swap3A_580 : vector<16xf32> to vector<16xf32>
          %swap3A_582 = vector.shape_cast %select_n3A_573 : vector<16xf32> to vector<16xf32>
          tpu.vector_store %arg4[%swap3A_579], %swap3A_582 {strides = array<i32>} : memref<102400xf32, #tpu.memory_space<vmem>>, vector<16xf32>,
          %get3A_583 = arith.constant 416 : index
          %get3A_584 = tpu.vector_load %arg5[%get3A_583] {strides = array<i32>} : memref<1024xi32, #tpu.memory_space<vmem>>, vector<16xi32>,
          %get3A_585 = vector.shape_cast %get3A_584 : vector<16xi32> to vector<16xi32>
          %eq3A_586 = vector.broadcast %add3A_91 : i32 to vector<16xi32>
          %eq3A_587 = arith.cmpi eq, %get3A_585, %eq3A_586 : vector<16xi32>
          %jit3A_588 = arith.constant 1.000000e+00 : f32
          %jit3A_589 = arith.constant 0.000000e+00 : f32
          %broadcast_in_dim3A_590 = vector.broadcast %jit3A_588 : f32 to vector<16xf32>
          %broadcast_in_dim3A_591 = vector.broadcast %jit3A_589 : f32 to vector<16xf32>
          %select_n3A_592 = arith.select %eq3A_587, %broadcast_in_dim3A_590, %broadcast_in_dim3A_591 : vector<16xi1>, vector<16xf32>
          %mul3A_593 = arith.constant 1024 : i32
          %mul3A_594 = arith.muli %scan3A_90, %mul3A_593 : i32
          %add3A_595 = arith.addi %mul3A_30, %mul3A_594 : i32
          %add3A_596 = arith.constant 416 : i32
          %add3A_597 = arith.addi %add3A_595, %add3A_596 : i32
          %swap3A_598 = arith.index_cast %add3A_597 : i32 to index
          %swap3A_599 = tpu.vector_load %arg4[%swap3A_598] {strides = array<i32>} : memref<102400xf32, #tpu.memory_space<vmem>>, vector<16xf32>,
          %swap3A_600 = vector.shape_cast %swap3A_599 : vector<16xf32> to vector<16xf32>
          %swap3A_601 = vector.shape_cast %select_n3A_592 : vector<16xf32> to vector<16xf32>
          tpu.vector_store %arg4[%swap3A_598], %swap3A_601 {strides = array<i32>} : memref<102400xf32, #tpu.memory_space<vmem>>, vector<16xf32>,
          %get3A_602 = arith.constant 432 : index
          %get3A_603 = tpu.vector_load %arg5[%get3A_602] {strides = array<i32>} : memref<1024xi32, #tpu.memory_space<vmem>>, vector<16xi32>,
          %get3A_604 = vector.shape_cast %get3A_603 : vector<16xi32> to vector<16xi32>
          %eq3A_605 = vector.broadcast %add3A_91 : i32 to vector<16xi32>
          %eq3A_606 = arith.cmpi eq, %get3A_604, %eq3A_605 : vector<16xi32>
          %jit3A_607 = arith.constant 1.000000e+00 : f32
          %jit3A_608 = arith.constant 0.000000e+00 : f32
          %broadcast_in_dim3A_609 = vector.broadcast %jit3A_607 : f32 to vector<16xf32>
          %broadcast_in_dim3A_610 = vector.broadcast %jit3A_608 : f32 to vector<16xf32>
          %select_n3A_611 = arith.select %eq3A_606, %broadcast_in_dim3A_609, %broadcast_in_dim3A_610 : vector<16xi1>, vector<16xf32>
          %mul3A_612 = arith.constant 1024 : i32
          %mul3A_613 = arith.muli %scan3A_90, %mul3A_612 : i32
          %add3A_614 = arith.addi %mul3A_30, %mul3A_613 : i32
          %add3A_615 = arith.constant 432 : i32
          %add3A_616 = arith.addi %add3A_614, %add3A_615 : i32
          %swap3A_617 = arith.index_cast %add3A_616 : i32 to index
          %swap3A_618 = tpu.vector_load %arg4[%swap3A_617] {strides = array<i32>} : memref<102400xf32, #tpu.memory_space<vmem>>, vector<16xf32>,
          %swap3A_619 = vector.shape_cast %swap3A_618 : vector<16xf32> to vector<16xf32>
          %swap3A_620 = vector.shape_cast %select_n3A_611 : vector<16xf32> to vector<16xf32>
          tpu.vector_store %arg4[%swap3A_617], %swap3A_620 {strides = array<i32>} : memref<102400xf32, #tpu.memory_space<vmem>>, vector<16xf32>,
          %get3A_621 = arith.constant 448 : index
          %get3A_622 = tpu.vector_load %arg5[%get3A_621] {strides = array<i32>} : memref<1024xi32, #tpu.memory_space<vmem>>, vector<16xi32>,
          %get3A_623 = vector.shape_cast %get3A_622 : vector<16xi32> to vector<16xi32>
          %eq3A_624 = vector.broadcast %add3A_91 : i32 to vector<16xi32>
          %eq3A_625 = arith.cmpi eq, %get3A_623, %eq3A_624 : vector<16xi32>
          %jit3A_626 = arith.constant 1.000000e+00 : f32
          %jit3A_627 = arith.constant 0.000000e+00 : f32
          %broadcast_in_dim3A_628 = vector.broadcast %jit3A_626 : f32 to vector<16xf32>
          %broadcast_in_dim3A_629 = vector.broadcast %jit3A_627 : f32 to vector<16xf32>
          %select_n3A_630 = arith.select %eq3A_625, %broadcast_in_dim3A_628, %broadcast_in_dim3A_629 : vector<16xi1>, vector<16xf32>
          %mul3A_631 = arith.constant 1024 : i32
          %mul3A_632 = arith.muli %scan3A_90, %mul3A_631 : i32
          %add3A_633 = arith.addi %mul3A_30, %mul3A_632 : i32
          %add3A_634 = arith.constant 448 : i32
          %add3A_635 = arith.addi %add3A_633, %add3A_634 : i32
          %swap3A_636 = arith.index_cast %add3A_635 : i32 to index
          %swap3A_637 = tpu.vector_load %arg4[%swap3A_636] {strides = array<i32>} : memref<102400xf32, #tpu.memory_space<vmem>>, vector<16xf32>,
          %swap3A_638 = vector.shape_cast %swap3A_637 : vector<16xf32> to vector<16xf32>
          %swap3A_639 = vector.shape_cast %select_n3A_630 : vector<16xf32> to vector<16xf32>
          tpu.vector_store %arg4[%swap3A_636], %swap3A_639 {strides = array<i32>} : memref<102400xf32, #tpu.memory_space<vmem>>, vector<16xf32>,
          %get3A_640 = arith.constant 464 : index
          %get3A_641 = tpu.vector_load %arg5[%get3A_640] {strides = array<i32>} : memref<1024xi32, #tpu.memory_space<vmem>>, vector<16xi32>,
          %get3A_642 = vector.shape_cast %get3A_641 : vector<16xi32> to vector<16xi32>
          %eq3A_643 = vector.broadcast %add3A_91 : i32 to vector<16xi32>
          %eq3A_644 = arith.cmpi eq, %get3A_642, %eq3A_643 : vector<16xi32>
          %jit3A_645 = arith.constant 1.000000e+00 : f32
          %jit3A_646 = arith.constant 0.000000e+00 : f32
          %broadcast_in_dim3A_647 = vector.broadcast %jit3A_645 : f32 to vector<16xf32>
          %broadcast_in_dim3A_648 = vector.broadcast %jit3A_646 : f32 to vector<16xf32>
          %select_n3A_649 = arith.select %eq3A_644, %broadcast_in_dim3A_647, %broadcast_in_dim3A_648 : vector<16xi1>, vector<16xf32>
          %mul3A_650 = arith.constant 1024 : i32
          %mul3A_651 = arith.muli %scan3A_90, %mul3A_650 : i32
          %add3A_652 = arith.addi %mul3A_30, %mul3A_651 : i32
          %add3A_653 = arith.constant 464 : i32
          %add3A_654 = arith.addi %add3A_652, %add3A_653 : i32
          %swap3A_655 = arith.index_cast %add3A_654 : i32 to index
          %swap3A_656 = tpu.vector_load %arg4[%swap3A_655] {strides = array<i32>} : memref<102400xf32, #tpu.memory_space<vmem>>, vector<16xf32>,
          %swap3A_657 = vector.shape_cast %swap3A_656 : vector<16xf32> to vector<16xf32>
          %swap3A_658 = vector.shape_cast %select_n3A_649 : vector<16xf32> to vector<16xf32>
          tpu.vector_store %arg4[%swap3A_655], %swap3A_658 {strides = array<i32>} : memref<102400xf32, #tpu.memory_space<vmem>>, vector<16xf32>,
          %get3A_659 = arith.constant 480 : index
          %get3A_660 = tpu.vector_load %arg5[%get3A_659] {strides = array<i32>} : memref<1024xi32, #tpu.memory_space<vmem>>, vector<16xi32>,
          %get3A_661 = vector.shape_cast %get3A_660 : vector<16xi32> to vector<16xi32>
          %eq3A_662 = vector.broadcast %add3A_91 : i32 to vector<16xi32>
          %eq3A_663 = arith.cmpi eq, %get3A_661, %eq3A_662 : vector<16xi32>
          %jit3A_664 = arith.constant 1.000000e+00 : f32
          %jit3A_665 = arith.constant 0.000000e+00 : f32
          %broadcast_in_dim3A_666 = vector.broadcast %jit3A_664 : f32 to vector<16xf32>
          %broadcast_in_dim3A_667 = vector.broadcast %jit3A_665 : f32 to vector<16xf32>
          %select_n3A_668 = arith.select %eq3A_663, %broadcast_in_dim3A_666, %broadcast_in_dim3A_667 : vector<16xi1>, vector<16xf32>
          %mul3A_669 = arith.constant 1024 : i32
          %mul3A_670 = arith.muli %scan3A_90, %mul3A_669 : i32
          %add3A_671 = arith.addi %mul3A_30, %mul3A_670 : i32
          %add3A_672 = arith.constant 480 : i32
          %add3A_673 = arith.addi %add3A_671, %add3A_672 : i32
          %swap3A_674 = arith.index_cast %add3A_673 : i32 to index
          %swap3A_675 = tpu.vector_load %arg4[%swap3A_674] {strides = array<i32>} : memref<102400xf32, #tpu.memory_space<vmem>>, vector<16xf32>,
          %swap3A_676 = vector.shape_cast %swap3A_675 : vector<16xf32> to vector<16xf32>
          %swap3A_677 = vector.shape_cast %select_n3A_668 : vector<16xf32> to vector<16xf32>
          tpu.vector_store %arg4[%swap3A_674], %swap3A_677 {strides = array<i32>} : memref<102400xf32, #tpu.memory_space<vmem>>, vector<16xf32>,
          %get3A_678 = arith.constant 496 : index
          %get3A_679 = tpu.vector_load %arg5[%get3A_678] {strides = array<i32>} : memref<1024xi32, #tpu.memory_space<vmem>>, vector<16xi32>,
          %get3A_680 = vector.shape_cast %get3A_679 : vector<16xi32> to vector<16xi32>
          %eq3A_681 = vector.broadcast %add3A_91 : i32 to vector<16xi32>
          %eq3A_682 = arith.cmpi eq, %get3A_680, %eq3A_681 : vector<16xi32>
          %jit3A_683 = arith.constant 1.000000e+00 : f32
          %jit3A_684 = arith.constant 0.000000e+00 : f32
          %broadcast_in_dim3A_685 = vector.broadcast %jit3A_683 : f32 to vector<16xf32>
          %broadcast_in_dim3A_686 = vector.broadcast %jit3A_684 : f32 to vector<16xf32>
          %select_n3A_687 = arith.select %eq3A_682, %broadcast_in_dim3A_685, %broadcast_in_dim3A_686 : vector<16xi1>, vector<16xf32>
          %mul3A_688 = arith.constant 1024 : i32
          %mul3A_689 = arith.muli %scan3A_90, %mul3A_688 : i32
          %add3A_690 = arith.addi %mul3A_30, %mul3A_689 : i32
          %add3A_691 = arith.constant 496 : i32
          %add3A_692 = arith.addi %add3A_690, %add3A_691 : i32
          %swap3A_693 = arith.index_cast %add3A_692 : i32 to index
          %swap3A_694 = tpu.vector_load %arg4[%swap3A_693] {strides = array<i32>} : memref<102400xf32, #tpu.memory_space<vmem>>, vector<16xf32>,
          %swap3A_695 = vector.shape_cast %swap3A_694 : vector<16xf32> to vector<16xf32>
          %swap3A_696 = vector.shape_cast %select_n3A_687 : vector<16xf32> to vector<16xf32>
          tpu.vector_store %arg4[%swap3A_693], %swap3A_696 {strides = array<i32>} : memref<102400xf32, #tpu.memory_space<vmem>>, vector<16xf32>,
          %get3A_697 = arith.constant 512 : index
          %get3A_698 = tpu.vector_load %arg5[%get3A_697] {strides = array<i32>} : memref<1024xi32, #tpu.memory_space<vmem>>, vector<16xi32>,
          %get3A_699 = vector.shape_cast %get3A_698 : vector<16xi32> to vector<16xi32>
          %eq3A_700 = vector.broadcast %add3A_91 : i32 to vector<16xi32>
          %eq3A_701 = arith.cmpi eq, %get3A_699, %eq3A_700 : vector<16xi32>
          %jit3A_702 = arith.constant 1.000000e+00 : f32
          %jit3A_703 = arith.constant 0.000000e+00 : f32
          %broadcast_in_dim3A_704 = vector.broadcast %jit3A_702 : f32 to vector<16xf32>
          %broadcast_in_dim3A_705 = vector.broadcast %jit3A_703 : f32 to vector<16xf32>
          %select_n3A_706 = arith.select %eq3A_701, %broadcast_in_dim3A_704, %broadcast_in_dim3A_705 : vector<16xi1>, vector<16xf32>
          %mul3A_707 = arith.constant 1024 : i32
          %mul3A_708 = arith.muli %scan3A_90, %mul3A_707 : i32
          %add3A_709 = arith.addi %mul3A_30, %mul3A_708 : i32
          %add3A_710 = arith.constant 512 : i32
          %add3A_711 = arith.addi %add3A_709, %add3A_710 : i32
          %swap3A_712 = arith.index_cast %add3A_711 : i32 to index
          %swap3A_713 = tpu.vector_load %arg4[%swap3A_712] {strides = array<i32>} : memref<102400xf32, #tpu.memory_space<vmem>>, vector<16xf32>,
          %swap3A_714 = vector.shape_cast %swap3A_713 : vector<16xf32> to vector<16xf32>
          %swap3A_715 = vector.shape_cast %select_n3A_706 : vector<16xf32> to vector<16xf32>
          tpu.vector_store %arg4[%swap3A_712], %swap3A_715 {strides = array<i32>} : memref<102400xf32, #tpu.memory_space<vmem>>, vector<16xf32>,
          %get3A_716 = arith.constant 528 : index
          %get3A_717 = tpu.vector_load %arg5[%get3A_716] {strides = array<i32>} : memref<1024xi32, #tpu.memory_space<vmem>>, vector<16xi32>,
          %get3A_718 = vector.shape_cast %get3A_717 : vector<16xi32> to vector<16xi32>
          %eq3A_719 = vector.broadcast %add3A_91 : i32 to vector<16xi32>
          %eq3A_720 = arith.cmpi eq, %get3A_718, %eq3A_719 : vector<16xi32>
          %jit3A_721 = arith.constant 1.000000e+00 : f32
          %jit3A_722 = arith.constant 0.000000e+00 : f32
          %broadcast_in_dim3A_723 = vector.broadcast %jit3A_721 : f32 to vector<16xf32>
          %broadcast_in_dim3A_724 = vector.broadcast %jit3A_722 : f32 to vector<16xf32>
          %select_n3A_725 = arith.select %eq3A_720, %broadcast_in_dim3A_723, %broadcast_in_dim3A_724 : vector<16xi1>, vector<16xf32>
          %mul3A_726 = arith.constant 1024 : i32
          %mul3A_727 = arith.muli %scan3A_90, %mul3A_726 : i32
          %add3A_728 = arith.addi %mul3A_30, %mul3A_727 : i32
          %add3A_729 = arith.constant 528 : i32
          %add3A_730 = arith.addi %add3A_728, %add3A_729 : i32
          %swap3A_731 = arith.index_cast %add3A_730 : i32 to index
          %swap3A_732 = tpu.vector_load %arg4[%swap3A_731] {strides = array<i32>} : memref<102400xf32, #tpu.memory_space<vmem>>, vector<16xf32>,
          %swap3A_733 = vector.shape_cast %swap3A_732 : vector<16xf32> to vector<16xf32>
          %swap3A_734 = vector.shape_cast %select_n3A_725 : vector<16xf32> to vector<16xf32>
          tpu.vector_store %arg4[%swap3A_731], %swap3A_734 {strides = array<i32>} : memref<102400xf32, #tpu.memory_space<vmem>>, vector<16xf32>,
          %get3A_735 = arith.constant 544 : index
          %get3A_736 = tpu.vector_load %arg5[%get3A_735] {strides = array<i32>} : memref<1024xi32, #tpu.memory_space<vmem>>, vector<16xi32>,
          %get3A_737 = vector.shape_cast %get3A_736 : vector<16xi32> to vector<16xi32>
          %eq3A_738 = vector.broadcast %add3A_91 : i32 to vector<16xi32>
          %eq3A_739 = arith.cmpi eq, %get3A_737, %eq3A_738 : vector<16xi32>
          %jit3A_740 = arith.constant 1.000000e+00 : f32
          %jit3A_741 = arith.constant 0.000000e+00 : f32
          %broadcast_in_dim3A_742 = vector.broadcast %jit3A_740 : f32 to vector<16xf32>
          %broadcast_in_dim3A_743 = vector.broadcast %jit3A_741 : f32 to vector<16xf32>
          %select_n3A_744 = arith.select %eq3A_739, %broadcast_in_dim3A_742, %broadcast_in_dim3A_743 : vector<16xi1>, vector<16xf32>
          %mul3A_745 = arith.constant 1024 : i32
          %mul3A_746 = arith.muli %scan3A_90, %mul3A_745 : i32
          %add3A_747 = arith.addi %mul3A_30, %mul3A_746 : i32
          %add3A_748 = arith.constant 544 : i32
          %add3A_749 = arith.addi %add3A_747, %add3A_748 : i32
          %swap3A_750 = arith.index_cast %add3A_749 : i32 to index
          %swap3A_751 = tpu.vector_load %arg4[%swap3A_750] {strides = array<i32>} : memref<102400xf32, #tpu.memory_space<vmem>>, vector<16xf32>,
          %swap3A_752 = vector.shape_cast %swap3A_751 : vector<16xf32> to vector<16xf32>
          %swap3A_753 = vector.shape_cast %select_n3A_744 : vector<16xf32> to vector<16xf32>
          tpu.vector_store %arg4[%swap3A_750], %swap3A_753 {strides = array<i32>} : memref<102400xf32, #tpu.memory_space<vmem>>, vector<16xf32>,
          %get3A_754 = arith.constant 560 : index
          %get3A_755 = tpu.vector_load %arg5[%get3A_754] {strides = array<i32>} : memref<1024xi32, #tpu.memory_space<vmem>>, vector<16xi32>,
          %get3A_756 = vector.shape_cast %get3A_755 : vector<16xi32> to vector<16xi32>
          %eq3A_757 = vector.broadcast %add3A_91 : i32 to vector<16xi32>
          %eq3A_758 = arith.cmpi eq, %get3A_756, %eq3A_757 : vector<16xi32>
          %jit3A_759 = arith.constant 1.000000e+00 : f32
          %jit3A_760 = arith.constant 0.000000e+00 : f32
          %broadcast_in_dim3A_761 = vector.broadcast %jit3A_759 : f32 to vector<16xf32>
          %broadcast_in_dim3A_762 = vector.broadcast %jit3A_760 : f32 to vector<16xf32>
          %select_n3A_763 = arith.select %eq3A_758, %broadcast_in_dim3A_761, %broadcast_in_dim3A_762 : vector<16xi1>, vector<16xf32>
          %mul3A_764 = arith.constant 1024 : i32
          %mul3A_765 = arith.muli %scan3A_90, %mul3A_764 : i32
          %add3A_766 = arith.addi %mul3A_30, %mul3A_765 : i32
          %add3A_767 = arith.constant 560 : i32
          %add3A_768 = arith.addi %add3A_766, %add3A_767 : i32
          %swap3A_769 = arith.index_cast %add3A_768 : i32 to index
          %swap3A_770 = tpu.vector_load %arg4[%swap3A_769] {strides = array<i32>} : memref<102400xf32, #tpu.memory_space<vmem>>, vector<16xf32>,
          %swap3A_771 = vector.shape_cast %swap3A_770 : vector<16xf32> to vector<16xf32>
          %swap3A_772 = vector.shape_cast %select_n3A_763 : vector<16xf32> to vector<16xf32>
          tpu.vector_store %arg4[%swap3A_769], %swap3A_772 {strides = array<i32>} : memref<102400xf32, #tpu.memory_space<vmem>>, vector<16xf32>,
          %get3A_773 = arith.constant 576 : index
          %get3A_774 = tpu.vector_load %arg5[%get3A_773] {strides = array<i32>} : memref<1024xi32, #tpu.memory_space<vmem>>, vector<16xi32>,
          %get3A_775 = vector.shape_cast %get3A_774 : vector<16xi32> to vector<16xi32>
          %eq3A_776 = vector.broadcast %add3A_91 : i32 to vector<16xi32>
          %eq3A_777 = arith.cmpi eq, %get3A_775, %eq3A_776 : vector<16xi32>
          %jit3A_778 = arith.constant 1.000000e+00 : f32
          %jit3A_779 = arith.constant 0.000000e+00 : f32
          %broadcast_in_dim3A_780 = vector.broadcast %jit3A_778 : f32 to vector<16xf32>
          %broadcast_in_dim3A_781 = vector.broadcast %jit3A_779 : f32 to vector<16xf32>
          %select_n3A_782 = arith.select %eq3A_777, %broadcast_in_dim3A_780, %broadcast_in_dim3A_781 : vector<16xi1>, vector<16xf32>
          %mul3A_783 = arith.constant 1024 : i32
          %mul3A_784 = arith.muli %scan3A_90, %mul3A_783 : i32
          %add3A_785 = arith.addi %mul3A_30, %mul3A_784 : i32
          %add3A_786 = arith.constant 576 : i32
          %add3A_787 = arith.addi %add3A_785, %add3A_786 : i32
          %swap3A_788 = arith.index_cast %add3A_787 : i32 to index
          %swap3A_789 = tpu.vector_load %arg4[%swap3A_788] {strides = array<i32>} : memref<102400xf32, #tpu.memory_space<vmem>>, vector<16xf32>,
          %swap3A_790 = vector.shape_cast %swap3A_789 : vector<16xf32> to vector<16xf32>
          %swap3A_791 = vector.shape_cast %select_n3A_782 : vector<16xf32> to vector<16xf32>
          tpu.vector_store %arg4[%swap3A_788], %swap3A_791 {strides = array<i32>} : memref<102400xf32, #tpu.memory_space<vmem>>, vector<16xf32>,
          %get3A_792 = arith.constant 592 : index
          %get3A_793 = tpu.vector_load %arg5[%get3A_792] {strides = array<i32>} : memref<1024xi32, #tpu.memory_space<vmem>>, vector<16xi32>,
          %get3A_794 = vector.shape_cast %get3A_793 : vector<16xi32> to vector<16xi32>
          %eq3A_795 = vector.broadcast %add3A_91 : i32 to vector<16xi32>
          %eq3A_796 = arith.cmpi eq, %get3A_794, %eq3A_795 : vector<16xi32>
          %jit3A_797 = arith.constant 1.000000e+00 : f32
          %jit3A_798 = arith.constant 0.000000e+00 : f32
          %broadcast_in_dim3A_799 = vector.broadcast %jit3A_797 : f32 to vector<16xf32>
          %broadcast_in_dim3A_800 = vector.broadcast %jit3A_798 : f32 to vector<16xf32>
          %select_n3A_801 = arith.select %eq3A_796, %broadcast_in_dim3A_799, %broadcast_in_dim3A_800 : vector<16xi1>, vector<16xf32>
          %mul3A_802 = arith.constant 1024 : i32
          %mul3A_803 = arith.muli %scan3A_90, %mul3A_802 : i32
          %add3A_804 = arith.addi %mul3A_30, %mul3A_803 : i32
          %add3A_805 = arith.constant 592 : i32
          %add3A_806 = arith.addi %add3A_804, %add3A_805 : i32
          %swap3A_807 = arith.index_cast %add3A_806 : i32 to index
          %swap3A_808 = tpu.vector_load %arg4[%swap3A_807] {strides = array<i32>} : memref<102400xf32, #tpu.memory_space<vmem>>, vector<16xf32>,
          %swap3A_809 = vector.shape_cast %swap3A_808 : vector<16xf32> to vector<16xf32>
          %swap3A_810 = vector.shape_cast %select_n3A_801 : vector<16xf32> to vector<16xf32>
          tpu.vector_store %arg4[%swap3A_807], %swap3A_810 {strides = array<i32>} : memref<102400xf32, #tpu.memory_space<vmem>>, vector<16xf32>,
          %get3A_811 = arith.constant 608 : index
          %get3A_812 = tpu.vector_load %arg5[%get3A_811] {strides = array<i32>} : memref<1024xi32, #tpu.memory_space<vmem>>, vector<16xi32>,
          %get3A_813 = vector.shape_cast %get3A_812 : vector<16xi32> to vector<16xi32>
          %eq3A_814 = vector.broadcast %add3A_91 : i32 to vector<16xi32>
          %eq3A_815 = arith.cmpi eq, %get3A_813, %eq3A_814 : vector<16xi32>
          %jit3A_816 = arith.constant 1.000000e+00 : f32
          %jit3A_817 = arith.constant 0.000000e+00 : f32
          %broadcast_in_dim3A_818 = vector.broadcast %jit3A_816 : f32 to vector<16xf32>
          %broadcast_in_dim3A_819 = vector.broadcast %jit3A_817 : f32 to vector<16xf32>
          %select_n3A_820 = arith.select %eq3A_815, %broadcast_in_dim3A_818, %broadcast_in_dim3A_819 : vector<16xi1>, vector<16xf32>
          %mul3A_821 = arith.constant 1024 : i32
          %mul3A_822 = arith.muli %scan3A_90, %mul3A_821 : i32
          %add3A_823 = arith.addi %mul3A_30, %mul3A_822 : i32
          %add3A_824 = arith.constant 608 : i32
          %add3A_825 = arith.addi %add3A_823, %add3A_824 : i32
          %swap3A_826 = arith.index_cast %add3A_825 : i32 to index
          %swap3A_827 = tpu.vector_load %arg4[%swap3A_826] {strides = array<i32>} : memref<102400xf32, #tpu.memory_space<vmem>>, vector<16xf32>,
          %swap3A_828 = vector.shape_cast %swap3A_827 : vector<16xf32> to vector<16xf32>
          %swap3A_829 = vector.shape_cast %select_n3A_820 : vector<16xf32> to vector<16xf32>
          tpu.vector_store %arg4[%swap3A_826], %swap3A_829 {strides = array<i32>} : memref<102400xf32, #tpu.memory_space<vmem>>, vector<16xf32>,
          %get3A_830 = arith.constant 624 : index
          %get3A_831 = tpu.vector_load %arg5[%get3A_830] {strides = array<i32>} : memref<1024xi32, #tpu.memory_space<vmem>>, vector<16xi32>,
          %get3A_832 = vector.shape_cast %get3A_831 : vector<16xi32> to vector<16xi32>
          %eq3A_833 = vector.broadcast %add3A_91 : i32 to vector<16xi32>
          %eq3A_834 = arith.cmpi eq, %get3A_832, %eq3A_833 : vector<16xi32>
          %jit3A_835 = arith.constant 1.000000e+00 : f32
          %jit3A_836 = arith.constant 0.000000e+00 : f32
          %broadcast_in_dim3A_837 = vector.broadcast %jit3A_835 : f32 to vector<16xf32>
          %broadcast_in_dim3A_838 = vector.broadcast %jit3A_836 : f32 to vector<16xf32>
          %select_n3A_839 = arith.select %eq3A_834, %broadcast_in_dim3A_837, %broadcast_in_dim3A_838 : vector<16xi1>, vector<16xf32>
          %mul3A_840 = arith.constant 1024 : i32
          %mul3A_841 = arith.muli %scan3A_90, %mul3A_840 : i32
          %add3A_842 = arith.addi %mul3A_30, %mul3A_841 : i32
          %add3A_843 = arith.constant 624 : i32
          %add3A_844 = arith.addi %add3A_842, %add3A_843 : i32
          %swap3A_845 = arith.index_cast %add3A_844 : i32 to index
          %swap3A_846 = tpu.vector_load %arg4[%swap3A_845] {strides = array<i32>} : memref<102400xf32, #tpu.memory_space<vmem>>, vector<16xf32>,
          %swap3A_847 = vector.shape_cast %swap3A_846 : vector<16xf32> to vector<16xf32>
          %swap3A_848 = vector.shape_cast %select_n3A_839 : vector<16xf32> to vector<16xf32>
          tpu.vector_store %arg4[%swap3A_845], %swap3A_848 {strides = array<i32>} : memref<102400xf32, #tpu.memory_space<vmem>>, vector<16xf32>,
          %get3A_849 = arith.constant 640 : index
          %get3A_850 = tpu.vector_load %arg5[%get3A_849] {strides = array<i32>} : memref<1024xi32, #tpu.memory_space<vmem>>, vector<16xi32>,
          %get3A_851 = vector.shape_cast %get3A_850 : vector<16xi32> to vector<16xi32>
          %eq3A_852 = vector.broadcast %add3A_91 : i32 to vector<16xi32>
          %eq3A_853 = arith.cmpi eq, %get3A_851, %eq3A_852 : vector<16xi32>
          %jit3A_854 = arith.constant 1.000000e+00 : f32
          %jit3A_855 = arith.constant 0.000000e+00 : f32
          %broadcast_in_dim3A_856 = vector.broadcast %jit3A_854 : f32 to vector<16xf32>
          %broadcast_in_dim3A_857 = vector.broadcast %jit3A_855 : f32 to vector<16xf32>
          %select_n3A_858 = arith.select %eq3A_853, %broadcast_in_dim3A_856, %broadcast_in_dim3A_857 : vector<16xi1>, vector<16xf32>
          %mul3A_859 = arith.constant 1024 : i32
          %mul3A_860 = arith.muli %scan3A_90, %mul3A_859 : i32
          %add3A_861 = arith.addi %mul3A_30, %mul3A_860 : i32
          %add3A_862 = arith.constant 640 : i32
          %add3A_863 = arith.addi %add3A_861, %add3A_862 : i32
          %swap3A_864 = arith.index_cast %add3A_863 : i32 to index
          %swap3A_865 = tpu.vector_load %arg4[%swap3A_864] {strides = array<i32>} : memref<102400xf32, #tpu.memory_space<vmem>>, vector<16xf32>,
          %swap3A_866 = vector.shape_cast %swap3A_865 : vector<16xf32> to vector<16xf32>
          %swap3A_867 = vector.shape_cast %select_n3A_858 : vector<16xf32> to vector<16xf32>
          tpu.vector_store %arg4[%swap3A_864], %swap3A_867 {strides = array<i32>} : memref<102400xf32, #tpu.memory_space<vmem>>, vector<16xf32>,
          %get3A_868 = arith.constant 656 : index
          %get3A_869 = tpu.vector_load %arg5[%get3A_868] {strides = array<i32>} : memref<1024xi32, #tpu.memory_space<vmem>>, vector<16xi32>,
          %get3A_870 = vector.shape_cast %get3A_869 : vector<16xi32> to vector<16xi32>
          %eq3A_871 = vector.broadcast %add3A_91 : i32 to vector<16xi32>
          %eq3A_872 = arith.cmpi eq, %get3A_870, %eq3A_871 : vector<16xi32>
          %jit3A_873 = arith.constant 1.000000e+00 : f32
          %jit3A_874 = arith.constant 0.000000e+00 : f32
          %broadcast_in_dim3A_875 = vector.broadcast %jit3A_873 : f32 to vector<16xf32>
          %broadcast_in_dim3A_876 = vector.broadcast %jit3A_874 : f32 to vector<16xf32>
          %select_n3A_877 = arith.select %eq3A_872, %broadcast_in_dim3A_875, %broadcast_in_dim3A_876 : vector<16xi1>, vector<16xf32>
          %mul3A_878 = arith.constant 1024 : i32
          %mul3A_879 = arith.muli %scan3A_90, %mul3A_878 : i32
          %add3A_880 = arith.addi %mul3A_30, %mul3A_879 : i32
          %add3A_881 = arith.constant 656 : i32
          %add3A_882 = arith.addi %add3A_880, %add3A_881 : i32
          %swap3A_883 = arith.index_cast %add3A_882 : i32 to index
          %swap3A_884 = tpu.vector_load %arg4[%swap3A_883] {strides = array<i32>} : memref<102400xf32, #tpu.memory_space<vmem>>, vector<16xf32>,
          %swap3A_885 = vector.shape_cast %swap3A_884 : vector<16xf32> to vector<16xf32>
          %swap3A_886 = vector.shape_cast %select_n3A_877 : vector<16xf32> to vector<16xf32>
          tpu.vector_store %arg4[%swap3A_883], %swap3A_886 {strides = array<i32>} : memref<102400xf32, #tpu.memory_space<vmem>>, vector<16xf32>,
          %get3A_887 = arith.constant 672 : index
          %get3A_888 = tpu.vector_load %arg5[%get3A_887] {strides = array<i32>} : memref<1024xi32, #tpu.memory_space<vmem>>, vector<16xi32>,
          %get3A_889 = vector.shape_cast %get3A_888 : vector<16xi32> to vector<16xi32>
          %eq3A_890 = vector.broadcast %add3A_91 : i32 to vector<16xi32>
          %eq3A_891 = arith.cmpi eq, %get3A_889, %eq3A_890 : vector<16xi32>
          %jit3A_892 = arith.constant 1.000000e+00 : f32
          %jit3A_893 = arith.constant 0.000000e+00 : f32
          %broadcast_in_dim3A_894 = vector.broadcast %jit3A_892 : f32 to vector<16xf32>
          %broadcast_in_dim3A_895 = vector.broadcast %jit3A_893 : f32 to vector<16xf32>
          %select_n3A_896 = arith.select %eq3A_891, %broadcast_in_dim3A_894, %broadcast_in_dim3A_895 : vector<16xi1>, vector<16xf32>
          %mul3A_897 = arith.constant 1024 : i32
          %mul3A_898 = arith.muli %scan3A_90, %mul3A_897 : i32
          %add3A_899 = arith.addi %mul3A_30, %mul3A_898 : i32
          %add3A_900 = arith.constant 672 : i32
          %add3A_901 = arith.addi %add3A_899, %add3A_900 : i32
          %swap3A_902 = arith.index_cast %add3A_901 : i32 to index
          %swap3A_903 = tpu.vector_load %arg4[%swap3A_902] {strides = array<i32>} : memref<102400xf32, #tpu.memory_space<vmem>>, vector<16xf32>,
          %swap3A_904 = vector.shape_cast %swap3A_903 : vector<16xf32> to vector<16xf32>
          %swap3A_905 = vector.shape_cast %select_n3A_896 : vector<16xf32> to vector<16xf32>
          tpu.vector_store %arg4[%swap3A_902], %swap3A_905 {strides = array<i32>} : memref<102400xf32, #tpu.memory_space<vmem>>, vector<16xf32>,
          %get3A_906 = arith.constant 688 : index
          %get3A_907 = tpu.vector_load %arg5[%get3A_906] {strides = array<i32>} : memref<1024xi32, #tpu.memory_space<vmem>>, vector<16xi32>,
          %get3A_908 = vector.shape_cast %get3A_907 : vector<16xi32> to vector<16xi32>
          %eq3A_909 = vector.broadcast %add3A_91 : i32 to vector<16xi32>
          %eq3A_910 = arith.cmpi eq, %get3A_908, %eq3A_909 : vector<16xi32>
          %jit3A_911 = arith.constant 1.000000e+00 : f32
          %jit3A_912 = arith.constant 0.000000e+00 : f32
          %broadcast_in_dim3A_913 = vector.broadcast %jit3A_911 : f32 to vector<16xf32>
          %broadcast_in_dim3A_914 = vector.broadcast %jit3A_912 : f32 to vector<16xf32>
          %select_n3A_915 = arith.select %eq3A_910, %broadcast_in_dim3A_913, %broadcast_in_dim3A_914 : vector<16xi1>, vector<16xf32>
          %mul3A_916 = arith.constant 1024 : i32
          %mul3A_917 = arith.muli %scan3A_90, %mul3A_916 : i32
          %add3A_918 = arith.addi %mul3A_30, %mul3A_917 : i32
          %add3A_919 = arith.constant 688 : i32
          %add3A_920 = arith.addi %add3A_918, %add3A_919 : i32
          %swap3A_921 = arith.index_cast %add3A_920 : i32 to index
          %swap3A_922 = tpu.vector_load %arg4[%swap3A_921] {strides = array<i32>} : memref<102400xf32, #tpu.memory_space<vmem>>, vector<16xf32>,
          %swap3A_923 = vector.shape_cast %swap3A_922 : vector<16xf32> to vector<16xf32>
          %swap3A_924 = vector.shape_cast %select_n3A_915 : vector<16xf32> to vector<16xf32>
          tpu.vector_store %arg4[%swap3A_921], %swap3A_924 {strides = array<i32>} : memref<102400xf32, #tpu.memory_space<vmem>>, vector<16xf32>,
          %get3A_925 = arith.constant 704 : index
          %get3A_926 = tpu.vector_load %arg5[%get3A_925] {strides = array<i32>} : memref<1024xi32, #tpu.memory_space<vmem>>, vector<16xi32>,
          %get3A_927 = vector.shape_cast %get3A_926 : vector<16xi32> to vector<16xi32>
          %eq3A_928 = vector.broadcast %add3A_91 : i32 to vector<16xi32>
          %eq3A_929 = arith.cmpi eq, %get3A_927, %eq3A_928 : vector<16xi32>
          %jit3A_930 = arith.constant 1.000000e+00 : f32
          %jit3A_931 = arith.constant 0.000000e+00 : f32
          %broadcast_in_dim3A_932 = vector.broadcast %jit3A_930 : f32 to vector<16xf32>
          %broadcast_in_dim3A_933 = vector.broadcast %jit3A_931 : f32 to vector<16xf32>
          %select_n3A_934 = arith.select %eq3A_929, %broadcast_in_dim3A_932, %broadcast_in_dim3A_933 : vector<16xi1>, vector<16xf32>
          %mul3A_935 = arith.constant 1024 : i32
          %mul3A_936 = arith.muli %scan3A_90, %mul3A_935 : i32
          %add3A_937 = arith.addi %mul3A_30, %mul3A_936 : i32
          %add3A_938 = arith.constant 704 : i32
          %add3A_939 = arith.addi %add3A_937, %add3A_938 : i32
          %swap3A_940 = arith.index_cast %add3A_939 : i32 to index
          %swap3A_941 = tpu.vector_load %arg4[%swap3A_940] {strides = array<i32>} : memref<102400xf32, #tpu.memory_space<vmem>>, vector<16xf32>,
          %swap3A_942 = vector.shape_cast %swap3A_941 : vector<16xf32> to vector<16xf32>
          %swap3A_943 = vector.shape_cast %select_n3A_934 : vector<16xf32> to vector<16xf32>
          tpu.vector_store %arg4[%swap3A_940], %swap3A_943 {strides = array<i32>} : memref<102400xf32, #tpu.memory_space<vmem>>, vector<16xf32>,
          %get3A_944 = arith.constant 720 : index
          %get3A_945 = tpu.vector_load %arg5[%get3A_944] {strides = array<i32>} : memref<1024xi32, #tpu.memory_space<vmem>>, vector<16xi32>,
          %get3A_946 = vector.shape_cast %get3A_945 : vector<16xi32> to vector<16xi32>
          %eq3A_947 = vector.broadcast %add3A_91 : i32 to vector<16xi32>
          %eq3A_948 = arith.cmpi eq, %get3A_946, %eq3A_947 : vector<16xi32>
          %jit3A_949 = arith.constant 1.000000e+00 : f32
          %jit3A_950 = arith.constant 0.000000e+00 : f32
          %broadcast_in_dim3A_951 = vector.broadcast %jit3A_949 : f32 to vector<16xf32>
          %broadcast_in_dim3A_952 = vector.broadcast %jit3A_950 : f32 to vector<16xf32>
          %select_n3A_953 = arith.select %eq3A_948, %broadcast_in_dim3A_951, %broadcast_in_dim3A_952 : vector<16xi1>, vector<16xf32>
          %mul3A_954 = arith.constant 1024 : i32
          %mul3A_955 = arith.muli %scan3A_90, %mul3A_954 : i32
          %add3A_956 = arith.addi %mul3A_30, %mul3A_955 : i32
          %add3A_957 = arith.constant 720 : i32
          %add3A_958 = arith.addi %add3A_956, %add3A_957 : i32
          %swap3A_959 = arith.index_cast %add3A_958 : i32 to index
          %swap3A_960 = tpu.vector_load %arg4[%swap3A_959] {strides = array<i32>} : memref<102400xf32, #tpu.memory_space<vmem>>, vector<16xf32>,
          %swap3A_961 = vector.shape_cast %swap3A_960 : vector<16xf32> to vector<16xf32>
          %swap3A_962 = vector.shape_cast %select_n3A_953 : vector<16xf32> to vector<16xf32>
          tpu.vector_store %arg4[%swap3A_959], %swap3A_962 {strides = array<i32>} : memref<102400xf32, #tpu.memory_space<vmem>>, vector<16xf32>,
          %get3A_963 = arith.constant 736 : index
          %get3A_964 = tpu.vector_load %arg5[%get3A_963] {strides = array<i32>} : memref<1024xi32, #tpu.memory_space<vmem>>, vector<16xi32>,
          %get3A_965 = vector.shape_cast %get3A_964 : vector<16xi32> to vector<16xi32>
          %eq3A_966 = vector.broadcast %add3A_91 : i32 to vector<16xi32>
          %eq3A_967 = arith.cmpi eq, %get3A_965, %eq3A_966 : vector<16xi32>
          %jit3A_968 = arith.constant 1.000000e+00 : f32
          %jit3A_969 = arith.constant 0.000000e+00 : f32
          %broadcast_in_dim3A_970 = vector.broadcast %jit3A_968 : f32 to vector<16xf32>
          %broadcast_in_dim3A_971 = vector.broadcast %jit3A_969 : f32 to vector<16xf32>
          %select_n3A_972 = arith.select %eq3A_967, %broadcast_in_dim3A_970, %broadcast_in_dim3A_971 : vector<16xi1>, vector<16xf32>
          %mul3A_973 = arith.constant 1024 : i32
          %mul3A_974 = arith.muli %scan3A_90, %mul3A_973 : i32
          %add3A_975 = arith.addi %mul3A_30, %mul3A_974 : i32
          %add3A_976 = arith.constant 736 : i32
          %add3A_977 = arith.addi %add3A_975, %add3A_976 : i32
          %swap3A_978 = arith.index_cast %add3A_977 : i32 to index
          %swap3A_979 = tpu.vector_load %arg4[%swap3A_978] {strides = array<i32>} : memref<102400xf32, #tpu.memory_space<vmem>>, vector<16xf32>,
          %swap3A_980 = vector.shape_cast %swap3A_979 : vector<16xf32> to vector<16xf32>
          %swap3A_981 = vector.shape_cast %select_n3A_972 : vector<16xf32> to vector<16xf32>
          tpu.vector_store %arg4[%swap3A_978], %swap3A_981 {strides = array<i32>} : memref<102400xf32, #tpu.memory_space<vmem>>, vector<16xf32>,
          %get3A_982 = arith.constant 752 : index
          %get3A_983 = tpu.vector_load %arg5[%get3A_982] {strides = array<i32>} : memref<1024xi32, #tpu.memory_space<vmem>>, vector<16xi32>,
          %get3A_984 = vector.shape_cast %get3A_983 : vector<16xi32> to vector<16xi32>
          %eq3A_985 = vector.broadcast %add3A_91 : i32 to vector<16xi32>
          %eq3A_986 = arith.cmpi eq, %get3A_984, %eq3A_985 : vector<16xi32>
          %jit3A_987 = arith.constant 1.000000e+00 : f32
          %jit3A_988 = arith.constant 0.000000e+00 : f32
          %broadcast_in_dim3A_989 = vector.broadcast %jit3A_987 : f32 to vector<16xf32>
          %broadcast_in_dim3A_990 = vector.broadcast %jit3A_988 : f32 to vector<16xf32>
          %select_n3A_991 = arith.select %eq3A_986, %broadcast_in_dim3A_989, %broadcast_in_dim3A_990 : vector<16xi1>, vector<16xf32>
          %mul3A_992 = arith.constant 1024 : i32
          %mul3A_993 = arith.muli %scan3A_90, %mul3A_992 : i32
          %add3A_994 = arith.addi %mul3A_30, %mul3A_993 : i32
          %add3A_995 = arith.constant 752 : i32
          %add3A_996 = arith.addi %add3A_994, %add3A_995 : i32
          %swap3A_997 = arith.index_cast %add3A_996 : i32 to index
          %swap3A_998 = tpu.vector_load %arg4[%swap3A_997] {strides = array<i32>} : memref<102400xf32, #tpu.memory_space<vmem>>, vector<16xf32>,
          %swap3A_999 = vector.shape_cast %swap3A_998 : vector<16xf32> to vector<16xf32>
          %swap3A_1000 = vector.shape_cast %select_n3A_991 : vector<16xf32> to vector<16xf32>
          tpu.vector_store %arg4[%swap3A_997], %swap3A_1000 {strides = array<i32>} : memref<102400xf32, #tpu.memory_space<vmem>>, vector<16xf32>,
          %get3A_1001 = arith.constant 768 : index
          %get3A_1002 = tpu.vector_load %arg5[%get3A_1001] {strides = array<i32>} : memref<1024xi32, #tpu.memory_space<vmem>>, vector<16xi32>,
          %get3A_1003 = vector.shape_cast %get3A_1002 : vector<16xi32> to vector<16xi32>
          %eq3A_1004 = vector.broadcast %add3A_91 : i32 to vector<16xi32>
          %eq3A_1005 = arith.cmpi eq, %get3A_1003, %eq3A_1004 : vector<16xi32>
          %jit3A_1006 = arith.constant 1.000000e+00 : f32
          %jit3A_1007 = arith.constant 0.000000e+00 : f32
          %broadcast_in_dim3A_1008 = vector.broadcast %jit3A_1006 : f32 to vector<16xf32>
          %broadcast_in_dim3A_1009 = vector.broadcast %jit3A_1007 : f32 to vector<16xf32>
          %select_n3A_1010 = arith.select %eq3A_1005, %broadcast_in_dim3A_1008, %broadcast_in_dim3A_1009 : vector<16xi1>, vector<16xf32>
          %mul3A_1011 = arith.constant 1024 : i32
          %mul3A_1012 = arith.muli %scan3A_90, %mul3A_1011 : i32
          %add3A_1013 = arith.addi %mul3A_30, %mul3A_1012 : i32
          %add3A_1014 = arith.constant 768 : i32
          %add3A_1015 = arith.addi %add3A_1013, %add3A_1014 : i32
          %swap3A_1016 = arith.index_cast %add3A_1015 : i32 to index
          %swap3A_1017 = tpu.vector_load %arg4[%swap3A_1016] {strides = array<i32>} : memref<102400xf32, #tpu.memory_space<vmem>>, vector<16xf32>,
          %swap3A_1018 = vector.shape_cast %swap3A_1017 : vector<16xf32> to vector<16xf32>
          %swap3A_1019 = vector.shape_cast %select_n3A_1010 : vector<16xf32> to vector<16xf32>
          tpu.vector_store %arg4[%swap3A_1016], %swap3A_1019 {strides = array<i32>} : memref<102400xf32, #tpu.memory_space<vmem>>, vector<16xf32>,
          %get3A_1020 = arith.constant 784 : index
          %get3A_1021 = tpu.vector_load %arg5[%get3A_1020] {strides = array<i32>} : memref<1024xi32, #tpu.memory_space<vmem>>, vector<16xi32>,
          %get3A_1022 = vector.shape_cast %get3A_1021 : vector<16xi32> to vector<16xi32>
          %eq3A_1023 = vector.broadcast %add3A_91 : i32 to vector<16xi32>
          %eq3A_1024 = arith.cmpi eq, %get3A_1022, %eq3A_1023 : vector<16xi32>
          %jit3A_1025 = arith.constant 1.000000e+00 : f32
          %jit3A_1026 = arith.constant 0.000000e+00 : f32
          %broadcast_in_dim3A_1027 = vector.broadcast %jit3A_1025 : f32 to vector<16xf32>
          %broadcast_in_dim3A_1028 = vector.broadcast %jit3A_1026 : f32 to vector<16xf32>
          %select_n3A_1029 = arith.select %eq3A_1024, %broadcast_in_dim3A_1027, %broadcast_in_dim3A_1028 : vector<16xi1>, vector<16xf32>
          %mul3A_1030 = arith.constant 1024 : i32
          %mul3A_1031 = arith.muli %scan3A_90, %mul3A_1030 : i32
          %add3A_1032 = arith.addi %mul3A_30, %mul3A_1031 : i32
          %add3A_1033 = arith.constant 784 : i32
          %add3A_1034 = arith.addi %add3A_1032, %add3A_1033 : i32
          %swap3A_1035 = arith.index_cast %add3A_1034 : i32 to index
          %swap3A_1036 = tpu.vector_load %arg4[%swap3A_1035] {strides = array<i32>} : memref<102400xf32, #tpu.memory_space<vmem>>, vector<16xf32>,
          %swap3A_1037 = vector.shape_cast %swap3A_1036 : vector<16xf32> to vector<16xf32>
          %swap3A_1038 = vector.shape_cast %select_n3A_1029 : vector<16xf32> to vector<16xf32>
          tpu.vector_store %arg4[%swap3A_1035], %swap3A_1038 {strides = array<i32>} : memref<102400xf32, #tpu.memory_space<vmem>>, vector<16xf32>,
          %get3A_1039 = arith.constant 800 : index
          %get3A_1040 = tpu.vector_load %arg5[%get3A_1039] {strides = array<i32>} : memref<1024xi32, #tpu.memory_space<vmem>>, vector<16xi32>,
          %get3A_1041 = vector.shape_cast %get3A_1040 : vector<16xi32> to vector<16xi32>
          %eq3A_1042 = vector.broadcast %add3A_91 : i32 to vector<16xi32>
          %eq3A_1043 = arith.cmpi eq, %get3A_1041, %eq3A_1042 : vector<16xi32>
          %jit3A_1044 = arith.constant 1.000000e+00 : f32
          %jit3A_1045 = arith.constant 0.000000e+00 : f32
          %broadcast_in_dim3A_1046 = vector.broadcast %jit3A_1044 : f32 to vector<16xf32>
          %broadcast_in_dim3A_1047 = vector.broadcast %jit3A_1045 : f32 to vector<16xf32>
          %select_n3A_1048 = arith.select %eq3A_1043, %broadcast_in_dim3A_1046, %broadcast_in_dim3A_1047 : vector<16xi1>, vector<16xf32>
          %mul3A_1049 = arith.constant 1024 : i32
          %mul3A_1050 = arith.muli %scan3A_90, %mul3A_1049 : i32
          %add3A_1051 = arith.addi %mul3A_30, %mul3A_1050 : i32
          %add3A_1052 = arith.constant 800 : i32
          %add3A_1053 = arith.addi %add3A_1051, %add3A_1052 : i32
          %swap3A_1054 = arith.index_cast %add3A_1053 : i32 to index
          %swap3A_1055 = tpu.vector_load %arg4[%swap3A_1054] {strides = array<i32>} : memref<102400xf32, #tpu.memory_space<vmem>>, vector<16xf32>,
          %swap3A_1056 = vector.shape_cast %swap3A_1055 : vector<16xf32> to vector<16xf32>
          %swap3A_1057 = vector.shape_cast %select_n3A_1048 : vector<16xf32> to vector<16xf32>
          tpu.vector_store %arg4[%swap3A_1054], %swap3A_1057 {strides = array<i32>} : memref<102400xf32, #tpu.memory_space<vmem>>, vector<16xf32>,
          %get3A_1058 = arith.constant 816 : index
          %get3A_1059 = tpu.vector_load %arg5[%get3A_1058] {strides = array<i32>} : memref<1024xi32, #tpu.memory_space<vmem>>, vector<16xi32>,
          %get3A_1060 = vector.shape_cast %get3A_1059 : vector<16xi32> to vector<16xi32>
          %eq3A_1061 = vector.broadcast %add3A_91 : i32 to vector<16xi32>
          %eq3A_1062 = arith.cmpi eq, %get3A_1060, %eq3A_1061 : vector<16xi32>
          %jit3A_1063 = arith.constant 1.000000e+00 : f32
          %jit3A_1064 = arith.constant 0.000000e+00 : f32
          %broadcast_in_dim3A_1065 = vector.broadcast %jit3A_1063 : f32 to vector<16xf32>
          %broadcast_in_dim3A_1066 = vector.broadcast %jit3A_1064 : f32 to vector<16xf32>
          %select_n3A_1067 = arith.select %eq3A_1062, %broadcast_in_dim3A_1065, %broadcast_in_dim3A_1066 : vector<16xi1>, vector<16xf32>
          %mul3A_1068 = arith.constant 1024 : i32
          %mul3A_1069 = arith.muli %scan3A_90, %mul3A_1068 : i32
          %add3A_1070 = arith.addi %mul3A_30, %mul3A_1069 : i32
          %add3A_1071 = arith.constant 816 : i32
          %add3A_1072 = arith.addi %add3A_1070, %add3A_1071 : i32
          %swap3A_1073 = arith.index_cast %add3A_1072 : i32 to index
          %swap3A_1074 = tpu.vector_load %arg4[%swap3A_1073] {strides = array<i32>} : memref<102400xf32, #tpu.memory_space<vmem>>, vector<16xf32>,
          %swap3A_1075 = vector.shape_cast %swap3A_1074 : vector<16xf32> to vector<16xf32>
          %swap3A_1076 = vector.shape_cast %select_n3A_1067 : vector<16xf32> to vector<16xf32>
          tpu.vector_store %arg4[%swap3A_1073], %swap3A_1076 {strides = array<i32>} : memref<102400xf32, #tpu.memory_space<vmem>>, vector<16xf32>,
          %get3A_1077 = arith.constant 832 : index
          %get3A_1078 = tpu.vector_load %arg5[%get3A_1077] {strides = array<i32>} : memref<1024xi32, #tpu.memory_space<vmem>>, vector<16xi32>,
          %get3A_1079 = vector.shape_cast %get3A_1078 : vector<16xi32> to vector<16xi32>
          %eq3A_1080 = vector.broadcast %add3A_91 : i32 to vector<16xi32>
          %eq3A_1081 = arith.cmpi eq, %get3A_1079, %eq3A_1080 : vector<16xi32>
          %jit3A_1082 = arith.constant 1.000000e+00 : f32
          %jit3A_1083 = arith.constant 0.000000e+00 : f32
          %broadcast_in_dim3A_1084 = vector.broadcast %jit3A_1082 : f32 to vector<16xf32>
          %broadcast_in_dim3A_1085 = vector.broadcast %jit3A_1083 : f32 to vector<16xf32>
          %select_n3A_1086 = arith.select %eq3A_1081, %broadcast_in_dim3A_1084, %broadcast_in_dim3A_1085 : vector<16xi1>, vector<16xf32>
          %mul3A_1087 = arith.constant 1024 : i32
          %mul3A_1088 = arith.muli %scan3A_90, %mul3A_1087 : i32
          %add3A_1089 = arith.addi %mul3A_30, %mul3A_1088 : i32
          %add3A_1090 = arith.constant 832 : i32
          %add3A_1091 = arith.addi %add3A_1089, %add3A_1090 : i32
          %swap3A_1092 = arith.index_cast %add3A_1091 : i32 to index
          %swap3A_1093 = tpu.vector_load %arg4[%swap3A_1092] {strides = array<i32>} : memref<102400xf32, #tpu.memory_space<vmem>>, vector<16xf32>,
          %swap3A_1094 = vector.shape_cast %swap3A_1093 : vector<16xf32> to vector<16xf32>
          %swap3A_1095 = vector.shape_cast %select_n3A_1086 : vector<16xf32> to vector<16xf32>
          tpu.vector_store %arg4[%swap3A_1092], %swap3A_1095 {strides = array<i32>} : memref<102400xf32, #tpu.memory_space<vmem>>, vector<16xf32>,
          %get3A_1096 = arith.constant 848 : index
          %get3A_1097 = tpu.vector_load %arg5[%get3A_1096] {strides = array<i32>} : memref<1024xi32, #tpu.memory_space<vmem>>, vector<16xi32>,
          %get3A_1098 = vector.shape_cast %get3A_1097 : vector<16xi32> to vector<16xi32>
          %eq3A_1099 = vector.broadcast %add3A_91 : i32 to vector<16xi32>
          %eq3A_1100 = arith.cmpi eq, %get3A_1098, %eq3A_1099 : vector<16xi32>
          %jit3A_1101 = arith.constant 1.000000e+00 : f32
          %jit3A_1102 = arith.constant 0.000000e+00 : f32
          %broadcast_in_dim3A_1103 = vector.broadcast %jit3A_1101 : f32 to vector<16xf32>
          %broadcast_in_dim3A_1104 = vector.broadcast %jit3A_1102 : f32 to vector<16xf32>
          %select_n3A_1105 = arith.select %eq3A_1100, %broadcast_in_dim3A_1103, %broadcast_in_dim3A_1104 : vector<16xi1>, vector<16xf32>
          %mul3A_1106 = arith.constant 1024 : i32
          %mul3A_1107 = arith.muli %scan3A_90, %mul3A_1106 : i32
          %add3A_1108 = arith.addi %mul3A_30, %mul3A_1107 : i32
          %add3A_1109 = arith.constant 848 : i32
          %add3A_1110 = arith.addi %add3A_1108, %add3A_1109 : i32
          %swap3A_1111 = arith.index_cast %add3A_1110 : i32 to index
          %swap3A_1112 = tpu.vector_load %arg4[%swap3A_1111] {strides = array<i32>} : memref<102400xf32, #tpu.memory_space<vmem>>, vector<16xf32>,
          %swap3A_1113 = vector.shape_cast %swap3A_1112 : vector<16xf32> to vector<16xf32>
          %swap3A_1114 = vector.shape_cast %select_n3A_1105 : vector<16xf32> to vector<16xf32>
          tpu.vector_store %arg4[%swap3A_1111], %swap3A_1114 {strides = array<i32>} : memref<102400xf32, #tpu.memory_space<vmem>>, vector<16xf32>,
          %get3A_1115 = arith.constant 864 : index
          %get3A_1116 = tpu.vector_load %arg5[%get3A_1115] {strides = array<i32>} : memref<1024xi32, #tpu.memory_space<vmem>>, vector<16xi32>,
          %get3A_1117 = vector.shape_cast %get3A_1116 : vector<16xi32> to vector<16xi32>
          %eq3A_1118 = vector.broadcast %add3A_91 : i32 to vector<16xi32>
          %eq3A_1119 = arith.cmpi eq, %get3A_1117, %eq3A_1118 : vector<16xi32>
          %jit3A_1120 = arith.constant 1.000000e+00 : f32
          %jit3A_1121 = arith.constant 0.000000e+00 : f32
          %broadcast_in_dim3A_1122 = vector.broadcast %jit3A_1120 : f32 to vector<16xf32>
          %broadcast_in_dim3A_1123 = vector.broadcast %jit3A_1121 : f32 to vector<16xf32>
          %select_n3A_1124 = arith.select %eq3A_1119, %broadcast_in_dim3A_1122, %broadcast_in_dim3A_1123 : vector<16xi1>, vector<16xf32>
          %mul3A_1125 = arith.constant 1024 : i32
          %mul3A_1126 = arith.muli %scan3A_90, %mul3A_1125 : i32
          %add3A_1127 = arith.addi %mul3A_30, %mul3A_1126 : i32
          %add3A_1128 = arith.constant 864 : i32
          %add3A_1129 = arith.addi %add3A_1127, %add3A_1128 : i32
          %swap3A_1130 = arith.index_cast %add3A_1129 : i32 to index
          %swap3A_1131 = tpu.vector_load %arg4[%swap3A_1130] {strides = array<i32>} : memref<102400xf32, #tpu.memory_space<vmem>>, vector<16xf32>,
          %swap3A_1132 = vector.shape_cast %swap3A_1131 : vector<16xf32> to vector<16xf32>
          %swap3A_1133 = vector.shape_cast %select_n3A_1124 : vector<16xf32> to vector<16xf32>
          tpu.vector_store %arg4[%swap3A_1130], %swap3A_1133 {strides = array<i32>} : memref<102400xf32, #tpu.memory_space<vmem>>, vector<16xf32>,
          %get3A_1134 = arith.constant 880 : index
          %get3A_1135 = tpu.vector_load %arg5[%get3A_1134] {strides = array<i32>} : memref<1024xi32, #tpu.memory_space<vmem>>, vector<16xi32>,
          %get3A_1136 = vector.shape_cast %get3A_1135 : vector<16xi32> to vector<16xi32>
          %eq3A_1137 = vector.broadcast %add3A_91 : i32 to vector<16xi32>
          %eq3A_1138 = arith.cmpi eq, %get3A_1136, %eq3A_1137 : vector<16xi32>
          %jit3A_1139 = arith.constant 1.000000e+00 : f32
          %jit3A_1140 = arith.constant 0.000000e+00 : f32
          %broadcast_in_dim3A_1141 = vector.broadcast %jit3A_1139 : f32 to vector<16xf32>
          %broadcast_in_dim3A_1142 = vector.broadcast %jit3A_1140 : f32 to vector<16xf32>
          %select_n3A_1143 = arith.select %eq3A_1138, %broadcast_in_dim3A_1141, %broadcast_in_dim3A_1142 : vector<16xi1>, vector<16xf32>
          %mul3A_1144 = arith.constant 1024 : i32
          %mul3A_1145 = arith.muli %scan3A_90, %mul3A_1144 : i32
          %add3A_1146 = arith.addi %mul3A_30, %mul3A_1145 : i32
          %add3A_1147 = arith.constant 880 : i32
          %add3A_1148 = arith.addi %add3A_1146, %add3A_1147 : i32
          %swap3A_1149 = arith.index_cast %add3A_1148 : i32 to index
          %swap3A_1150 = tpu.vector_load %arg4[%swap3A_1149] {strides = array<i32>} : memref<102400xf32, #tpu.memory_space<vmem>>, vector<16xf32>,
          %swap3A_1151 = vector.shape_cast %swap3A_1150 : vector<16xf32> to vector<16xf32>
          %swap3A_1152 = vector.shape_cast %select_n3A_1143 : vector<16xf32> to vector<16xf32>
          tpu.vector_store %arg4[%swap3A_1149], %swap3A_1152 {strides = array<i32>} : memref<102400xf32, #tpu.memory_space<vmem>>, vector<16xf32>,
          %get3A_1153 = arith.constant 896 : index
          %get3A_1154 = tpu.vector_load %arg5[%get3A_1153] {strides = array<i32>} : memref<1024xi32, #tpu.memory_space<vmem>>, vector<16xi32>,
          %get3A_1155 = vector.shape_cast %get3A_1154 : vector<16xi32> to vector<16xi32>
          %eq3A_1156 = vector.broadcast %add3A_91 : i32 to vector<16xi32>
          %eq3A_1157 = arith.cmpi eq, %get3A_1155, %eq3A_1156 : vector<16xi32>
          %jit3A_1158 = arith.constant 1.000000e+00 : f32
          %jit3A_1159 = arith.constant 0.000000e+00 : f32
          %broadcast_in_dim3A_1160 = vector.broadcast %jit3A_1158 : f32 to vector<16xf32>
          %broadcast_in_dim3A_1161 = vector.broadcast %jit3A_1159 : f32 to vector<16xf32>
          %select_n3A_1162 = arith.select %eq3A_1157, %broadcast_in_dim3A_1160, %broadcast_in_dim3A_1161 : vector<16xi1>, vector<16xf32>
          %mul3A_1163 = arith.constant 1024 : i32
          %mul3A_1164 = arith.muli %scan3A_90, %mul3A_1163 : i32
          %add3A_1165 = arith.addi %mul3A_30, %mul3A_1164 : i32
          %add3A_1166 = arith.constant 896 : i32
          %add3A_1167 = arith.addi %add3A_1165, %add3A_1166 : i32
          %swap3A_1168 = arith.index_cast %add3A_1167 : i32 to index
          %swap3A_1169 = tpu.vector_load %arg4[%swap3A_1168] {strides = array<i32>} : memref<102400xf32, #tpu.memory_space<vmem>>, vector<16xf32>,
          %swap3A_1170 = vector.shape_cast %swap3A_1169 : vector<16xf32> to vector<16xf32>
          %swap3A_1171 = vector.shape_cast %select_n3A_1162 : vector<16xf32> to vector<16xf32>
          tpu.vector_store %arg4[%swap3A_1168], %swap3A_1171 {strides = array<i32>} : memref<102400xf32, #tpu.memory_space<vmem>>, vector<16xf32>,
          %get3A_1172 = arith.constant 912 : index
          %get3A_1173 = tpu.vector_load %arg5[%get3A_1172] {strides = array<i32>} : memref<1024xi32, #tpu.memory_space<vmem>>, vector<16xi32>,
          %get3A_1174 = vector.shape_cast %get3A_1173 : vector<16xi32> to vector<16xi32>
          %eq3A_1175 = vector.broadcast %add3A_91 : i32 to vector<16xi32>
          %eq3A_1176 = arith.cmpi eq, %get3A_1174, %eq3A_1175 : vector<16xi32>
          %jit3A_1177 = arith.constant 1.000000e+00 : f32
          %jit3A_1178 = arith.constant 0.000000e+00 : f32
          %broadcast_in_dim3A_1179 = vector.broadcast %jit3A_1177 : f32 to vector<16xf32>
          %broadcast_in_dim3A_1180 = vector.broadcast %jit3A_1178 : f32 to vector<16xf32>
          %select_n3A_1181 = arith.select %eq3A_1176, %broadcast_in_dim3A_1179, %broadcast_in_dim3A_1180 : vector<16xi1>, vector<16xf32>
          %mul3A_1182 = arith.constant 1024 : i32
          %mul3A_1183 = arith.muli %scan3A_90, %mul3A_1182 : i32
          %add3A_1184 = arith.addi %mul3A_30, %mul3A_1183 : i32
          %add3A_1185 = arith.constant 912 : i32
          %add3A_1186 = arith.addi %add3A_1184, %add3A_1185 : i32
          %swap3A_1187 = arith.index_cast %add3A_1186 : i32 to index
          %swap3A_1188 = tpu.vector_load %arg4[%swap3A_1187] {strides = array<i32>} : memref<102400xf32, #tpu.memory_space<vmem>>, vector<16xf32>,
          %swap3A_1189 = vector.shape_cast %swap3A_1188 : vector<16xf32> to vector<16xf32>
          %swap3A_1190 = vector.shape_cast %select_n3A_1181 : vector<16xf32> to vector<16xf32>
          tpu.vector_store %arg4[%swap3A_1187], %swap3A_1190 {strides = array<i32>} : memref<102400xf32, #tpu.memory_space<vmem>>, vector<16xf32>,
          %get3A_1191 = arith.constant 928 : index
          %get3A_1192 = tpu.vector_load %arg5[%get3A_1191] {strides = array<i32>} : memref<1024xi32, #tpu.memory_space<vmem>>, vector<16xi32>,
          %get3A_1193 = vector.shape_cast %get3A_1192 : vector<16xi32> to vector<16xi32>
          %eq3A_1194 = vector.broadcast %add3A_91 : i32 to vector<16xi32>
          %eq3A_1195 = arith.cmpi eq, %get3A_1193, %eq3A_1194 : vector<16xi32>
          %jit3A_1196 = arith.constant 1.000000e+00 : f32
          %jit3A_1197 = arith.constant 0.000000e+00 : f32
          %broadcast_in_dim3A_1198 = vector.broadcast %jit3A_1196 : f32 to vector<16xf32>
          %broadcast_in_dim3A_1199 = vector.broadcast %jit3A_1197 : f32 to vector<16xf32>
          %select_n3A_1200 = arith.select %eq3A_1195, %broadcast_in_dim3A_1198, %broadcast_in_dim3A_1199 : vector<16xi1>, vector<16xf32>
          %mul3A_1201 = arith.constant 1024 : i32
          %mul3A_1202 = arith.muli %scan3A_90, %mul3A_1201 : i32
          %add3A_1203 = arith.addi %mul3A_30, %mul3A_1202 : i32
          %add3A_1204 = arith.constant 928 : i32
          %add3A_1205 = arith.addi %add3A_1203, %add3A_1204 : i32
          %swap3A_1206 = arith.index_cast %add3A_1205 : i32 to index
          %swap3A_1207 = tpu.vector_load %arg4[%swap3A_1206] {strides = array<i32>} : memref<102400xf32, #tpu.memory_space<vmem>>, vector<16xf32>,
          %swap3A_1208 = vector.shape_cast %swap3A_1207 : vector<16xf32> to vector<16xf32>
          %swap3A_1209 = vector.shape_cast %select_n3A_1200 : vector<16xf32> to vector<16xf32>
          tpu.vector_store %arg4[%swap3A_1206], %swap3A_1209 {strides = array<i32>} : memref<102400xf32, #tpu.memory_space<vmem>>, vector<16xf32>,
          %get3A_1210 = arith.constant 944 : index
          %get3A_1211 = tpu.vector_load %arg5[%get3A_1210] {strides = array<i32>} : memref<1024xi32, #tpu.memory_space<vmem>>, vector<16xi32>,
          %get3A_1212 = vector.shape_cast %get3A_1211 : vector<16xi32> to vector<16xi32>
          %eq3A_1213 = vector.broadcast %add3A_91 : i32 to vector<16xi32>
          %eq3A_1214 = arith.cmpi eq, %get3A_1212, %eq3A_1213 : vector<16xi32>
          %jit3A_1215 = arith.constant 1.000000e+00 : f32
          %jit3A_1216 = arith.constant 0.000000e+00 : f32
          %broadcast_in_dim3A_1217 = vector.broadcast %jit3A_1215 : f32 to vector<16xf32>
          %broadcast_in_dim3A_1218 = vector.broadcast %jit3A_1216 : f32 to vector<16xf32>
          %select_n3A_1219 = arith.select %eq3A_1214, %broadcast_in_dim3A_1217, %broadcast_in_dim3A_1218 : vector<16xi1>, vector<16xf32>
          %mul3A_1220 = arith.constant 1024 : i32
          %mul3A_1221 = arith.muli %scan3A_90, %mul3A_1220 : i32
          %add3A_1222 = arith.addi %mul3A_30, %mul3A_1221 : i32
          %add3A_1223 = arith.constant 944 : i32
          %add3A_1224 = arith.addi %add3A_1222, %add3A_1223 : i32
          %swap3A_1225 = arith.index_cast %add3A_1224 : i32 to index
          %swap3A_1226 = tpu.vector_load %arg4[%swap3A_1225] {strides = array<i32>} : memref<102400xf32, #tpu.memory_space<vmem>>, vector<16xf32>,
          %swap3A_1227 = vector.shape_cast %swap3A_1226 : vector<16xf32> to vector<16xf32>
          %swap3A_1228 = vector.shape_cast %select_n3A_1219 : vector<16xf32> to vector<16xf32>
          tpu.vector_store %arg4[%swap3A_1225], %swap3A_1228 {strides = array<i32>} : memref<102400xf32, #tpu.memory_space<vmem>>, vector<16xf32>,
          %get3A_1229 = arith.constant 960 : index
          %get3A_1230 = tpu.vector_load %arg5[%get3A_1229] {strides = array<i32>} : memref<1024xi32, #tpu.memory_space<vmem>>, vector<16xi32>,
          %get3A_1231 = vector.shape_cast %get3A_1230 : vector<16xi32> to vector<16xi32>
          %eq3A_1232 = vector.broadcast %add3A_91 : i32 to vector<16xi32>
          %eq3A_1233 = arith.cmpi eq, %get3A_1231, %eq3A_1232 : vector<16xi32>
          %jit3A_1234 = arith.constant 1.000000e+00 : f32
          %jit3A_1235 = arith.constant 0.000000e+00 : f32
          %broadcast_in_dim3A_1236 = vector.broadcast %jit3A_1234 : f32 to vector<16xf32>
          %broadcast_in_dim3A_1237 = vector.broadcast %jit3A_1235 : f32 to vector<16xf32>
          %select_n3A_1238 = arith.select %eq3A_1233, %broadcast_in_dim3A_1236, %broadcast_in_dim3A_1237 : vector<16xi1>, vector<16xf32>
          %mul3A_1239 = arith.constant 1024 : i32
          %mul3A_1240 = arith.muli %scan3A_90, %mul3A_1239 : i32
          %add3A_1241 = arith.addi %mul3A_30, %mul3A_1240 : i32
          %add3A_1242 = arith.constant 960 : i32
          %add3A_1243 = arith.addi %add3A_1241, %add3A_1242 : i32
          %swap3A_1244 = arith.index_cast %add3A_1243 : i32 to index
          %swap3A_1245 = tpu.vector_load %arg4[%swap3A_1244] {strides = array<i32>} : memref<102400xf32, #tpu.memory_space<vmem>>, vector<16xf32>,
          %swap3A_1246 = vector.shape_cast %swap3A_1245 : vector<16xf32> to vector<16xf32>
          %swap3A_1247 = vector.shape_cast %select_n3A_1238 : vector<16xf32> to vector<16xf32>
          tpu.vector_store %arg4[%swap3A_1244], %swap3A_1247 {strides = array<i32>} : memref<102400xf32, #tpu.memory_space<vmem>>, vector<16xf32>,
          %get3A_1248 = arith.constant 976 : index
          %get3A_1249 = tpu.vector_load %arg5[%get3A_1248] {strides = array<i32>} : memref<1024xi32, #tpu.memory_space<vmem>>, vector<16xi32>,
          %get3A_1250 = vector.shape_cast %get3A_1249 : vector<16xi32> to vector<16xi32>
          %eq3A_1251 = vector.broadcast %add3A_91 : i32 to vector<16xi32>
          %eq3A_1252 = arith.cmpi eq, %get3A_1250, %eq3A_1251 : vector<16xi32>
          %jit3A_1253 = arith.constant 1.000000e+00 : f32
          %jit3A_1254 = arith.constant 0.000000e+00 : f32
          %broadcast_in_dim3A_1255 = vector.broadcast %jit3A_1253 : f32 to vector<16xf32>
          %broadcast_in_dim3A_1256 = vector.broadcast %jit3A_1254 : f32 to vector<16xf32>
          %select_n3A_1257 = arith.select %eq3A_1252, %broadcast_in_dim3A_1255, %broadcast_in_dim3A_1256 : vector<16xi1>, vector<16xf32>
          %mul3A_1258 = arith.constant 1024 : i32
          %mul3A_1259 = arith.muli %scan3A_90, %mul3A_1258 : i32
          %add3A_1260 = arith.addi %mul3A_30, %mul3A_1259 : i32
          %add3A_1261 = arith.constant 976 : i32
          %add3A_1262 = arith.addi %add3A_1260, %add3A_1261 : i32
          %swap3A_1263 = arith.index_cast %add3A_1262 : i32 to index
          %swap3A_1264 = tpu.vector_load %arg4[%swap3A_1263] {strides = array<i32>} : memref<102400xf32, #tpu.memory_space<vmem>>, vector<16xf32>,
          %swap3A_1265 = vector.shape_cast %swap3A_1264 : vector<16xf32> to vector<16xf32>
          %swap3A_1266 = vector.shape_cast %select_n3A_1257 : vector<16xf32> to vector<16xf32>
          tpu.vector_store %arg4[%swap3A_1263], %swap3A_1266 {strides = array<i32>} : memref<102400xf32, #tpu.memory_space<vmem>>, vector<16xf32>,
          %get3A_1267 = arith.constant 992 : index
          %get3A_1268 = tpu.vector_load %arg5[%get3A_1267] {strides = array<i32>} : memref<1024xi32, #tpu.memory_space<vmem>>, vector<16xi32>,
          %get3A_1269 = vector.shape_cast %get3A_1268 : vector<16xi32> to vector<16xi32>
          %eq3A_1270 = vector.broadcast %add3A_91 : i32 to vector<16xi32>
          %eq3A_1271 = arith.cmpi eq, %get3A_1269, %eq3A_1270 : vector<16xi32>
          %jit3A_1272 = arith.constant 1.000000e+00 : f32
          %jit3A_1273 = arith.constant 0.000000e+00 : f32
          %broadcast_in_dim3A_1274 = vector.broadcast %jit3A_1272 : f32 to vector<16xf32>
          %broadcast_in_dim3A_1275 = vector.broadcast %jit3A_1273 : f32 to vector<16xf32>
          %select_n3A_1276 = arith.select %eq3A_1271, %broadcast_in_dim3A_1274, %broadcast_in_dim3A_1275 : vector<16xi1>, vector<16xf32>
          %mul3A_1277 = arith.constant 1024 : i32
          %mul3A_1278 = arith.muli %scan3A_90, %mul3A_1277 : i32
          %add3A_1279 = arith.addi %mul3A_30, %mul3A_1278 : i32
          %add3A_1280 = arith.constant 992 : i32
          %add3A_1281 = arith.addi %add3A_1279, %add3A_1280 : i32
          %swap3A_1282 = arith.index_cast %add3A_1281 : i32 to index
          %swap3A_1283 = tpu.vector_load %arg4[%swap3A_1282] {strides = array<i32>} : memref<102400xf32, #tpu.memory_space<vmem>>, vector<16xf32>,
          %swap3A_1284 = vector.shape_cast %swap3A_1283 : vector<16xf32> to vector<16xf32>
          %swap3A_1285 = vector.shape_cast %select_n3A_1276 : vector<16xf32> to vector<16xf32>
          tpu.vector_store %arg4[%swap3A_1282], %swap3A_1285 {strides = array<i32>} : memref<102400xf32, #tpu.memory_space<vmem>>, vector<16xf32>,
          %get3A_1286 = arith.constant 1008 : index
          %get3A_1287 = tpu.vector_load %arg5[%get3A_1286] {strides = array<i32>} : memref<1024xi32, #tpu.memory_space<vmem>>, vector<16xi32>,
          %get3A_1288 = vector.shape_cast %get3A_1287 : vector<16xi32> to vector<16xi32>
          %eq3A_1289 = vector.broadcast %add3A_91 : i32 to vector<16xi32>
          %eq3A_1290 = arith.cmpi eq, %get3A_1288, %eq3A_1289 : vector<16xi32>
          %jit3A_1291 = arith.constant 1.000000e+00 : f32
          %jit3A_1292 = arith.constant 0.000000e+00 : f32
          %broadcast_in_dim3A_1293 = vector.broadcast %jit3A_1291 : f32 to vector<16xf32>
          %broadcast_in_dim3A_1294 = vector.broadcast %jit3A_1292 : f32 to vector<16xf32>
          %select_n3A_1295 = arith.select %eq3A_1290, %broadcast_in_dim3A_1293, %broadcast_in_dim3A_1294 : vector<16xi1>, vector<16xf32>
          %mul3A_1296 = arith.constant 1024 : i32
          %mul3A_1297 = arith.muli %scan3A_90, %mul3A_1296 : i32
          %add3A_1298 = arith.addi %mul3A_30, %mul3A_1297 : i32
          %add3A_1299 = arith.constant 1008 : i32
          %add3A_1300 = arith.addi %add3A_1298, %add3A_1299 : i32
          %swap3A_1301 = arith.index_cast %add3A_1300 : i32 to index
          %swap3A_1302 = tpu.vector_load %arg4[%swap3A_1301] {strides = array<i32>} : memref<102400xf32, #tpu.memory_space<vmem>>, vector<16xf32>,
          %swap3A_1303 = vector.shape_cast %swap3A_1302 : vector<16xf32> to vector<16xf32>
          %swap3A_1304 = vector.shape_cast %select_n3A_1295 : vector<16xf32> to vector<16xf32>
          tpu.vector_store %arg4[%swap3A_1301], %swap3A_1304 {strides = array<i32>} : memref<102400xf32, #tpu.memory_space<vmem>>, vector<16xf32>,
        }
        %scan3A_77 = arith.constant 50 : i32
        %ge3A = arith.constant 1 : i32
        %ge3A_78 = arith.cmpi sge, %scan3A_13, %ge3A : i32
        %convert_element_type3A_79 = arith.extui %ge3A_78 : i1 to i32
        %cond3A_80 = arith.constant 0 : i32
        %cond3A_81 = arith.cmpi ne, %convert_element_type3A_79, %cond3A_80 : i32
        scf.if %cond3A_81 {
          %dma_wait3A_90 = arith.constant 0 : i32
          %dma_wait3A_91 = tpu.memref_slice %arg4[%dma_wait3A_90] : memref<102400xf32, #tpu.memory_space<vmem>> -> memref<51200xf32, #tpu.memory_space<vmem>>
          %dma_wait3A_92 = arith.constant 0 : i32
          %dma_wait3A_93 = tpu.memref_slice %arg3[%dma_wait3A_92] : memref<26624000xf32, #tpu.memory_space<hbm>> -> memref<51200xf32, #tpu.memory_space<hbm>>
          %dma_wait3A_94 = arith.constant 0 : i32
          %dma_wait3A_95 = tpu.memref_slice %arg3[%dma_wait3A_94] : memref<26624000xf32, #tpu.memory_space<hbm>> -> memref<51200xf32, #tpu.memory_space<hbm>>
          %dma_wait3A_96 = arith.constant 0 : i32
          %dma_wait3A_97 = tpu.memref_slice %arg4[%dma_wait3A_96] : memref<102400xf32, #tpu.memory_space<vmem>> -> memref<51200xf32, #tpu.memory_space<vmem>>
          tpu.wait_dma2 semaphore(%arg6 : memref<!tpu.dma_semaphore, #tpu.memory_space<semaphore_mem>>) src(%dma_wait3A_97 : memref<51200xf32, #tpu.memory_space<vmem>>) dst(%dma_wait3A_95 : memref<51200xf32, #tpu.memory_space<hbm>>)
        } else {
        }
        %mul3A_82 = arith.constant 1000 : i32
        %mul3A_83 = arith.muli %select_n3A_51, %mul3A_82 : i32
        %add3A_84 = arith.addi %mul3A_83, %mul3A_69 : i32
        %mul3A_85 = arith.constant 1024 : i32
        %mul3A_86 = arith.muli %add3A_84, %mul3A_85 : i32
        %dma_start3A = tpu.memref_slice %arg4[%mul3A_30] : memref<102400xf32, #tpu.memory_space<vmem>> -> memref<51200xf32, #tpu.memory_space<vmem>>
        %dma_start3A_87 = tpu.memref_slice %arg3[%mul3A_86] : memref<26624000xf32, #tpu.memory_space<hbm>> -> memref<51200xf32, #tpu.memory_space<hbm>>
        %dma_start3A_88 = tpu.memref_slice %arg3[%mul3A_86] : memref<26624000xf32, #tpu.memory_space<hbm>> -> memref<51200xf32, #tpu.memory_space<hbm>>
        %dma_start3A_89 = tpu.memref_slice %arg4[%mul3A_30] : memref<102400xf32, #tpu.memory_space<vmem>> -> memref<51200xf32, #tpu.memory_space<vmem>>
        tpu.enqueue_dma source(%dma_start3A_89 : memref<51200xf32, #tpu.memory_space<vmem>>) target(%dma_start3A_88 : memref<51200xf32, #tpu.memory_space<hbm>>) target_semaphore(%arg6 : memref<!tpu.dma_semaphore, #tpu.memory_space<semaphore_mem>>)
      } else {
      }
    }
    %scan3A_5 = arith.constant 17 : i32
    %dma_wait3A = arith.constant 0 : i32
    %dma_wait3A_6 = tpu.memref_slice %arg4[%dma_wait3A] : memref<102400xf32, #tpu.memory_space<vmem>> -> memref<51200xf32, #tpu.memory_space<vmem>>
    %dma_wait3A_7 = arith.constant 0 : i32
    %dma_wait3A_8 = tpu.memref_slice %arg3[%dma_wait3A_7] : memref<26624000xf32, #tpu.memory_space<hbm>> -> memref<51200xf32, #tpu.memory_space<hbm>>
    %dma_wait3A_9 = arith.constant 0 : i32
    %dma_wait3A_10 = tpu.memref_slice %arg3[%dma_wait3A_9] : memref<26624000xf32, #tpu.memory_space<hbm>> -> memref<51200xf32, #tpu.memory_space<hbm>>
    %dma_wait3A_11 = arith.constant 0 : i32
    %dma_wait3A_12 = tpu.memref_slice %arg4[%dma_wait3A_11] : memref<102400xf32, #tpu.memory_space<vmem>> -> memref<51200xf32, #tpu.memory_space<vmem>>
    tpu.wait_dma2 semaphore(%arg6 : memref<!tpu.dma_semaphore, #tpu.memory_space<semaphore_mem>>) src(%dma_wait3A_12 : memref<51200xf32, #tpu.memory_space<vmem>>) dst(%dma_wait3A_10 : memref<51200xf32, #tpu.memory_space<hbm>>)
    return
  }
}

</mosaic_0001>

<sc_bundles>
// kernel: kernel.3.cloned.1.call-start
scs
__scs_entry_jumppad:
0x0: {  	(pc) =	sbr.rel $0x88, $3  }
0x1: {  	(tag) =	ssettag $0x0;
	lr =	simm.s32 $0x1  }
0x2: {  	[smem:$0x3FA0] =	sst lr;
	_ =	strace $0xD0000000  }
0x3: {  	_ = 	snop  }
0x4: {  	_ = 	snop  }
0x5: {  	_ = 	snop  }
0x6: {  	_ = 	snop  }
0x7: {  	_ = 	snop  }
__scs_overlays_trampoline_lowered:
0x8: {  	[smem:$0x3FAF] =	sst s0  }
0x9: {  	[smem:$0x3FB0] =	sst s1  }
0xa: {  	[smem:$0x3FB1] =	sst s2  }
0xb: {  	[smem:$0x3FB2] =	sst s3  }
0xc: {  	[smem:$0x3FB3] =	sst s4  }
0xd: {  	[smem:$0x3FB4] =	sst s5  }
0xe: {  	[smem:$0x3FB5] =	sst s6  }
0xf: {  	[smem:$0x3FB6] =	sst s7  }
0x10: {  	[smem:$0x3FB7] =	sst s8  }
0x11: {  	[smem:$0x3FB8] =	sst s9;
	s0 =	simm.s32 @!p0 $0x0  }
0x12: {  	s1 =	sld [smem:$0x3F9E];
	s0 =	simm.s32 @p0 $0x1  }
0x13: {  	[smem:$0x3FB9] =	sst s0;
	s0 =	simm.s32 @!p1 $0x0  }
0x14: {  	s2 =	sld [smem:$0x3F9D];
	s0 =	simm.s32 @p1 $0x1  }
0x15: {  	[smem:$0x3FBA] =	sst s0;
	s0 =	simm.s32 @!p2 $0x0  }
0x16: {  	s3 =	sld [smem:$0x3FDB];
	s0 =	simm.s32 @p2 $0x1  }
0x17: {  	s4 =	simm.s32 $0x1BF5;
	[smem:$0x3FBC] =	sst s0  }
0x18: {  	s0 =	sld [smem:$0x3F9F];
	_ =	swait.ge [sflag:s4], $0x0  }
0x19: {  	s7 =	sld [smem:$0x3FA0]  }
0x1a: {  	s8 =	sadd.s32 $0xFFFFE003, lr  }
0x1b: {  	s9 =	sadd.s32 $0xFFFFFEF7, lr;
	s5 =	simm.s32 $0xFFFFFFFF;
	p2 =	slt.u32 s8, $0xFFFFF086  }
0x1c: {  	p1 =	slt.u32 s9, $0xF7A;
	s5 =	simm.s32 @!p2 $0x0  }
0x1d: {  	s5 =	simm.s32 @p1 $0x1;
	p0 =	seq.s32 s7, s2  }
0x1e: {  	s7 =	smul.u32 @!p0 $0xF7A, s2;
	p2 =	seq.s32 @!p0 s5, $0x0  }
0x1f: {  	s9 =	smul.u32 $0xF7A, s1;
	s8 =	simm.s32 @!p0 $0x1BF5;
	p2 =	por !p2, p0  }
0x20: {  	[sflag:s8] =	ssyncset.s32 @!p0 $0xFFFFF086;
	s6 =	sadd.s32 @!p0 s3, s7;
	s7 =	simm.s32 @!p0 $0x108  }
0x21: {  	s3 =	sadd.s32 s3, s9;
	s6 =	sadd.s32 @!p0 $0x88, s6;
	s7 =	simm.s32 @p2 $0x1082  }
0x22: {  	[simem:s7], [sflag:s8] =	dma.local @!p0 [hbm:s6], $0xF7A  }
0x23: {  	s9 =	sor.u32 $0xD0000000, s2;
	s6 =	simm.s32 $0x108;
	_ =	swait.ge @!p0 [sflag:s8], $0x0  }
0x24: {  	s3 =	sadd.s32 $0x88, s3;
	s6 =	simm.s32 @!p1 $0x1082;
	[sflag:s4] =	ssyncset.s32 $0xFFFFF086  }
0x25: {  	[simem:s6], [sflag:s4] =	dma.local [hbm:s3], $0xF7A  }
0x26: {  	[smem:$0x3FA0] =	sst s1;
	(tag) =	ssettag s2;
	_ =	strace s9  }
0x27: {  	s1 =	sld [smem:$0x3FB0]  }
0x28: {  	s2 =	sld [smem:$0x3FB1]  }
0x29: {  	s4 =	sld [smem:$0x3FB3]  }
0x2a: {  	p0 =	seq.s32 s5, $0x0;
	s5 =	sld [smem:$0x3FB4]  }
0x2b: {  	s6 =	sld [smem:$0x3FB5]  }
0x2c: {  	s7 =	sld [smem:$0x3FB6]  }
0x2d: {  	s3 =	simm.s32 $0x108;
	s8 =	sld [smem:$0x3FB7]  }
0x2e: {  	s3 =	simm.s32 @!p0 $0x1082;
	s9 =	sld [smem:$0x3FB8]  }
0x2f: {  	lr =	sadd.s32 s0, s3;
	s0 =	sld [smem:$0x3FAF]  }
0x30: {  	s3 =	sld [smem:$0x3FB2]  }
0x31: {  	[smem:$0x3FBB] =	sst s10  }
0x32: {  	s10 =	sld [smem:$0x3FB9];
	_ =	sdelay $0x3  }
0x33: {  	p0 =	seq.s32 s10, $0x1;
	s10 =	sld [smem:$0x3FBB];
	_ =	sdelay $0x3  }
0x34: {  	[smem:$0x3FBB] =	sst s10  }
0x35: {  	s10 =	sld [smem:$0x3FBA];
	_ =	sdelay $0x3  }
0x36: {  	p1 =	seq.s32 s10, $0x1;
	s10 =	sld [smem:$0x3FBB];
	_ =	sdelay $0x3  }
0x37: {  	[smem:$0x3FBB] =	sst s10  }
0x38: {  	s10 =	sld [smem:$0x3FBC]  }
0x39: {  	_ = 	snop;
	(pc) =	sbr.ind lr, $3  }
0x3a: {  	_ = 	snop  }
0x3b: {  	_ = 	snop  }
0x3c: {  	p2 =	seq.s32 s10, $0x1;
	s10 =	sld [smem:$0x3FBB]  }
0x3d: {  	_ =	shalt  }
0x3e: {  	_ =	shalt  }
0x3f: {  	_ =	shalt  }
0x40: {  	_ =	shalt  }
0x41: {  	_ =	shalt  }
0x42: {  	_ =	shalt  }
0x43: {  	_ =	shalt  }
0x44: {  	_ =	shalt  }
0x45: {  	_ =	shalt  }
0x46: {  	_ =	shalt  }
0x47: {  	_ =	shalt  }
0x48: {  	_ =	shalt  }
0x49: {  	_ =	shalt  }
0x4a: {  	_ =	shalt  }
0x4b: {  	_ =	shalt  }
0x4c: {  	_ =	shalt  }
0x4d: {  	_ =	shalt  }
0x4e: {  	_ =	shalt  }
0x4f: {  	_ =	shalt  }
0x50: {  	_ =	shalt  }
0x51: {  	_ =	shalt  }
0x52: {  	_ =	shalt  }
0x53: {  	_ =	shalt  }
0x54: {  	_ =	shalt  }
0x55: {  	_ =	shalt  }
0x56: {  	_ =	shalt  }
0x57: {  	_ =	shalt  }
0x58: {  	_ =	shalt  }
0x59: {  	_ =	shalt  }
0x5a: {  	_ =	shalt  }
0x5b: {  	_ =	shalt  }
0x5c: {  	_ =	shalt  }
0x5d: {  	_ =	shalt  }
0x5e: {  	_ =	shalt  }
0x5f: {  	_ =	shalt  }
0x60: {  	_ =	shalt  }
0x61: {  	_ =	shalt  }
0x62: {  	_ =	shalt  }
0x63: {  	_ =	shalt  }
0x64: {  	_ =	shalt  }
0x65: {  	_ =	shalt  }
0x66: {  	_ =	shalt  }
0x67: {  	_ =	shalt  }
0x68: {  	_ =	shalt  }
0x69: {  	_ =	shalt  }
0x6a: {  	_ =	shalt  }
0x6b: {  	_ =	shalt  }
0x6c: {  	_ =	shalt  }
0x6d: {  	_ =	shalt  }
0x6e: {  	_ =	shalt  }
0x6f: {  	_ =	shalt  }
0x70: {  	_ =	shalt  }
0x71: {  	_ =	shalt  }
0x72: {  	_ =	shalt  }
0x73: {  	_ =	shalt  }
0x74: {  	_ =	shalt  }
0x75: {  	_ =	shalt  }
0x76: {  	_ =	shalt  }
0x77: {  	_ =	shalt  }
0x78: {  	_ =	shalt  }
0x79: {  	_ =	shalt  }
0x7a: {  	_ =	shalt  }
0x7b: {  	_ =	shalt  }
0x7c: {  	_ =	shalt  }
0x7d: {  	_ =	shalt  }
0x7e: {  	_ =	shalt  }
0x7f: {  	_ =	shalt  }
0x80: {  	_ =	shalt  }
0x81: {  	_ =	shalt  }
0x82: {  	_ =	shalt  }
0x83: {  	_ =	shalt  }
0x84: {  	_ =	shalt  }
0x85: {  	_ =	shalt  }
0x86: {  	_ =	shalt  }
0x87: {  	_ =	shalt  }
.Lfunc_end0:
.L_simem_size_0:
called_computation_lowered:
.L_overlay_start_0:
0x88: {  	s2 =	sld [smem:$0x3FD9]  }
0x89: {  	s3 =	sld [smem:$0x3FFE];
	_ =	sdelay $0x1  }
0x8a: {  	s1 =	srdreg.scid  }
0x8b: {  	s0 =	sand.u32 $0x1, s1  }
0x8c: {  	s17 =	sshll.u32 s0, $0xA;
	s2 =	sadd.s32 s3, s2  }
0x8d: {  	s2 =	sadd.s32 s2, s17  }
0x8e: {  	[smem:$0x3FC7] =	sst s2  }
0x8f: {  	_ = 	snop  }
0x90: {  	s2 =	sld [smem:$0x3FD0];
	(tm) =	ssettm $0x1  }
0x91: {  	s18 =	sld [smem:$0x3FFB];
	_ =	sdelay $0x3  }
0x92: {  	_ =	strace s18  }
0x93: {  	s3 =	sld [smem:$0x3FFC];
	_ =	sdelay $0x3  }
0x94: {  	_ =	strace s3  }
0x95: {  	s3 =	sld [smem:$0x3FFD];
	_ =	sdelay $0x3  }
0x96: {  	_ =	strace s3  }
0x97: {  	_ =	strace $0x8FFFFFFF  }
0x98: {  	s19 =	sld [smem:$0x3FDB];
	_ =	sdelay $0x1  }
0x99: {  	s4 =	simm.s32 $_scs_section_size  }
0x9a: {  	s5 =	simm.s32 $_size__tile_overlayer_lowered;
	s6 =	simm.s32 $_tile_overlayer_lowered  }
0x9b: {  	s22 =	simm.s32 $0x1BFF;
	s21 =	sshll.u32 s6, $0x1;
	s3 =	sadd.s32 s4, s19  }
0x9c: {  	s7 =	simm.s32 $0x0;
	s20 =	sshll.u32 s5, $0x1;
	s5 =	sadd.s32 s21, s3  }
0x9d: {  	[timem:s7], [sflag:s22] =	dma.local [hbm:s5], s20  }
0x9e: {  	_ =	swait.ge [sflag:s22], s20  }
0x9f: {  	s4 =	ssub.s32 $0x0, s20;
	[sflag:s22] =	ssyncset.done $0x0  }
0xa0: {  	[sflag:s22] =	ssyncadd.s32 s4;
	_ =	sdelay $0x1  }
0xa1: {  	s23 =	simm.s32 $0x1B8B  }
0xa2: {  	_ =	swait.ge [sflag:s23], $0x1  }
0xa3: {  	[sflag:s23] =	ssyncset.done $0x0  }
0xa4: {  	s25 =	simm.s32 $0x1B8E;
	s24 =	sld [smem:$0x3FFE];
	[sflag:s23] =	ssyncadd.s32 $0xFFFFFFFF  }
0xa5: {  	s26 =	simm.s32 $execute0_lowered;
	[smem:$0x3FD2] =	sst s25  }
0xa6: {  	s5 =	sshll.u32 s26, $0x1;
	_ =	strace $0x80000046;
	[dreg:$0x1] =	wrdreg $0xFFFFFFFF  }
0xa7: {  	s28 =	simm.s32 $_size_execute0_lowered;
	s3 =	sadd.s32 s3, s5;
	[dreg:$0x0] =	wrdreg $0x0  }
0xa8: {  	s5 =	sshll.u32 s28, $0x1;
	[dreg:$0x2] =	wrdreg s3  }
0xa9: {  	[dreg:$0x3] =	wrdreg s5  }
0xaa: {  	[dreg:$0x4] =	wrdreg $0xC0  }
0xab: {  	_ =	task [dreg:s7], $0x5FFFF  }
0xac: {  	[dreg:$0x1] =	wrdreg $0xFFFFFFFF  }
0xad: {  	[dreg:$0x0] =	wrdreg $0x60  }
0xae: {  	[dreg:$0x2] =	wrdreg s2  }
0xaf: {  	[dreg:$0x3] =	wrdreg s24  }
0xb0: {  	[dreg:$0x4] =	wrdreg $0x9  }
0xb1: {  	_ =	task.clear_ibuf [dreg:s7], $0x5FFFF;
	_ =	strace $0x90000046  }
0xb2: {  	s29 =	simm.s32 $0x9;
	_ =	strace $0x80000048  }
0xb3: {  	_ =	swait.ge [sflag:s29], $0x1  }
0xb4: {  	[sflag:s29] =	ssyncadd.s32 $0xFFFFFFFF  }
0xb5: {  	_ =	strace $0x90000048  }
0xb6: {  	_ =	sfence  }
0xb7: {  	s30 =	sld [smem:$0x0];
	_ =	sdelay $0x2  }
0xb8: {  	s31 =	sshll.u32 s1, $0xD;
	s1 =	sshrl.u32 s1, $0x2  }
0xb9: {  	s3 =	sand.u32 $0x4000, s31;
	s1 =	sadd.s32 s1, s30  }
0xba: {  	s0 =	sor.u32 s3, s0;
	s1 =	sshll.u32 s1, $0x11  }
0xbb: {  	s0 =	sor.u32 s1, s0  }
0xbc: {  	s0 =	sadd.s32 $0x8F2B, s0  }
0xbd: {  	[sflag:s0] =	ssyncadd.remote.s32 $0x1  }
0xbe: {  	_ =	sfence.sel $0xFFFF  }
0xbf: {  	[dreg:$0x0] =	wrdreg $0xFFFFFFFF;
	(pc) =	sbr.abs _section_cstart, $3  }
0xc0: {  	[dreg:$0x1] =	wrdreg $0xFFFFFFFF  }
0xc1: {  	_ =	task.clear_ibuf [dreg:s7], $0x2FFFF;
	_ =	strace $0x9FFFFFFF  }
0xc2: {  	(tm) =	ssettm $0x7FFFFFFF  }
0xc3: {  	_ =	shalt  }
tec
execute0_lowered:
.L_overlay_start_1:
0x0: {  	(tag) =	ssettag $0x1  }
0x1: {  	s1 =	rddreg [dreg:$0x0]  }
0x2: {  	s5 =	rddreg [dreg:$0x1];
	s2 =	srdreg.scid  }
0x3: {  	s0 =	rddreg [dreg:$0x2];
	s4 =	simm.s32 $0x0;
	s10 =	simm.s32 $0x19000  }
0x4: {  	s11 =	simm.s32 $0x2;
	s12 =	simm.s32 $0x1;
	s13 =	simm.s32 $0x0  }
.Ltmp0:
0x5: {  	s3 =	sand.u32 $0x1, s2;
	s2 =	stileid.u32;
	(pc) =	sbr.rel .LBB2_1-.Ltmp0, $4  }
0x6: {  	[smem:$0x7FF] =	sst s4;
	s6 =	ssub.s32 $0x2, s3;
	s8 =	smul.u32 $0x64, s2  }
0x7: {  	s5 =	sadd.s32 $0x400, s5;
	s9 =	smul.u32 $0x32, s3;
	s7 =	sshrl.u32 s6, $0x1  }
0x8: {  	_ =	strace $0x80000047;
	s7 =	ssub.s32 s6, s7;
	s6 =	sshll.u32 s2, $0x1  }
0x9: {  	v0 =	vimm.f32 $0.0e+00;
	s8 =	sadd.s32 s9, s8;
	s7 =	smax.u32 s7, $0x1;
	s9 =	sor.u32 s3, s6  }
.LBB2_7:
0xa: {  	s13 =	sadd.s32 $0x1, s13  }
0xb: {  	p0 =	sne.s32 s13, s7  }
.Ltmp1:
0xc: {  	_ = 	snop;
	(pc) =	sbr.rel @!p0 .LBB2_8-.Ltmp1, $4  }
0xd: {  	_ = 	snop  }
0xe: {  	_ =	swait.ge [sflag:s12], $0xC800  }
0xf: {  	[sflag:s12] =	ssyncset.done $0x0  }
0x10: {  	[sflag:s12] =	ssyncadd.s32 $0xFFFF3800  }
.LBB2_1:
.Ltmp2:
0x11: {  	(pc) =	sbr.rel .LBB2_2-.Ltmp2, $2  }
0x12: {  	_ =	sdelay $0x2  }
0x13: {  	s14 =	smov.u32 s9;
	s15 =	smov.u32 s8;
	s16 =	simm.s32 $0x0  }
.LBB2_6:
0x14: {  	s16 =	sadd.s32 $0x1, s16  }
0x15: {  	p0 =	sne.s32 s16, $0x11  }
.Ltmp3:
0x16: {  	_ = 	snop;
	(pc) =	sbr.rel @!p0 .LBB2_7-.Ltmp3, $2  }
0x17: {  	_ =	sdelay $0x2  }
0x18: {  	s15 =	sadd.s32 $0x640, s15;
	s14 =	sadd.s32 $0x20, s14  }
.LBB2_2:
0x19: {  	s17 =	sshll.u32 s16, $0x5  }
0x1a: {  	s21 =	sor.u32 s6, s17  }
0x1b: {  	p0 =	sgt.u32 s21, $0x207  }
.Ltmp4:
0x1c: {  	_ = 	snop;
	(pc) =	sbr.rel @p0 .LBB2_6-.Ltmp4, $1  }
0x1d: {  	_ =	sdelay $0x3  }
0x1e: {  	s17 =	smul.u32 $0xCCCD, s21;
	_ =	sdelay $0x1  }
0x1f: {  	s17 =	sshrl.u32 s17, $0x14  }
0x20: {  	s18 =	sshll.u32 s17, $0x7  }
0x21: {  	s19 =	simm.s32 $0x0;
	s18 =	sadd.s32 s1, s18  }
0x22: {  	[tilespmem:s10], [sflag:$0x2] =	stream.linear.gather [hbm4b:s18+s19], $0x400, $0x38;
	[tilespmem:$0x19400] =	vst v63  }
0x23: {  	_ =	swait.ge [sflag:s11], $0x400  }
0x24: {  	s29 =	smulhi.u32 $0xCCCCCCCD, s14;
	[sflag:s11] =	ssyncset.done $0x0  }
0x25: {  	[sflag:s11] =	ssyncadd.s32 $0xFFFFFC00  }
0x26: {  	s18 =	sshrl.u32 s29, $0x4;
	v1 =	vld [tilespmem:$0x19000]  }
0x27: {  	s18 =	smul.u32 $0x3E8, s18;
	_ =	sdelay $0x1  }
0x28: {  	s30 =	sand.u32 $0x1, s16;
	s19 =	ssub.s32 s15, s18  }
0x29: {  	p0 =	seq.s32 s30, $0x1;
	s18 =	simm.s32 $0xC800;
	s22 =	sadd.s32 $0x0, s19  }
0x2a: {  	s18 =	simm.s32 @!p0 $0x0;
	vm0 =	veq.s32 v1, s22  }
0x2b: {  	s20 =	sor.u32 $0x200, s18;
	v1 =	vsel vm0, $0x3F800000, v0  }
0x2c: {  	[tilespmem:s20+$0xFFFFFE00] =	vst v1  }
0x2d: {  	v1 =	vld [tilespmem:$0x19010];
	_ =	sdelay $0x4  }
0x2e: {  	vm13 =	veq.s32 v1, s22  }
0x2f: {  	v1 =	vsel vm13, $0x3F800000, v0  }
0x30: {  	[tilespmem:s20+$0xFFFFFE10] =	vst v1  }
0x31: {  	v1 =	vld [tilespmem:$0x19020];
	_ =	sdelay $0x4  }
0x32: {  	vm14 =	veq.s32 v1, s22  }
0x33: {  	v1 =	vsel vm14, $0x3F800000, v0  }
0x34: {  	[tilespmem:s20+$0xFFFFFE20] =	vst v1  }
0x35: {  	v1 =	vld [tilespmem:$0x19030];
	_ =	sdelay $0x4  }
0x36: {  	vm15 =	veq.s32 v1, s22  }
0x37: {  	v1 =	vsel vm15, $0x3F800000, v0  }
0x38: {  	[tilespmem:s20+$0xFFFFFE30] =	vst v1  }
0x39: {  	v1 =	vld [tilespmem:$0x19040];
	_ =	sdelay $0x4  }
0x3a: {  	vm4 =	veq.s32 v1, s22  }
0x3b: {  	v1 =	vsel vm4, $0x3F800000, v0  }
0x3c: {  	[tilespmem:s20+$0xFFFFFE40] =	vst v1  }
0x3d: {  	v1 =	vld [tilespmem:$0x19050];
	_ =	sdelay $0x4  }
0x3e: {  	vm5 =	veq.s32 v1, s22  }
0x3f: {  	v1 =	vsel vm5, $0x3F800000, v0  }
0x40: {  	[tilespmem:s20+$0xFFFFFE50] =	vst v1  }
0x41: {  	v1 =	vld [tilespmem:$0x19060];
	_ =	sdelay $0x4  }
0x42: {  	vm6 =	veq.s32 v1, s22  }
0x43: {  	v1 =	vsel vm6, $0x3F800000, v0  }
0x44: {  	[tilespmem:s20+$0xFFFFFE60] =	vst v1  }
0x45: {  	v1 =	vld [tilespmem:$0x19070];
	_ =	sdelay $0x4  }
0x46: {  	vm7 =	veq.s32 v1, s22  }
0x47: {  	v1 =	vsel vm7, $0x3F800000, v0  }
0x48: {  	[tilespmem:s20+$0xFFFFFE70] =	vst v1  }
0x49: {  	v1 =	vld [tilespmem:$0x19080];
	_ =	sdelay $0x4  }
0x4a: {  	vm8 =	veq.s32 v1, s22  }
0x4b: {  	v1 =	vsel vm8, $0x3F800000, v0  }
0x4c: {  	[tilespmem:s20+$0xFFFFFE80] =	vst v1  }
0x4d: {  	v1 =	vld [tilespmem:$0x19090];
	_ =	sdelay $0x4  }
0x4e: {  	vm9 =	veq.s32 v1, s22  }
0x4f: {  	v1 =	vsel vm9, $0x3F800000, v0  }
0x50: {  	[tilespmem:s20+$0xFFFFFE90] =	vst v1  }
0x51: {  	v1 =	vld [tilespmem:$0x190A0];
	_ =	sdelay $0x4  }
0x52: {  	vm10 =	veq.s32 v1, s22  }
0x53: {  	v1 =	vsel vm10, $0x3F800000, v0  }
0x54: {  	[tilespmem:s20+$0xFFFFFEA0] =	vst v1  }
0x55: {  	v1 =	vld [tilespmem:$0x190B0];
	_ =	sdelay $0x4  }
0x56: {  	vm11 =	veq.s32 v1, s22  }
0x57: {  	v1 =	vsel vm11, $0x3F800000, v0  }
0x58: {  	[tilespmem:s20+$0xFFFFFEB0] =	vst v1  }
0x59: {  	v1 =	vld [tilespmem:$0x190C0];
	_ =	sdelay $0x4  }
0x5a: {  	vm12 =	veq.s32 v1, s22  }
0x5b: {  	v1 =	vsel vm12, $0x3F800000, v0  }
0x5c: {  	[tilespmem:s20+$0xFFFFFEC0] =	vst v1  }
0x5d: {  	v1 =	vld [tilespmem:$0x190D0];
	_ =	sdelay $0x4  }
0x5e: {  	vm13 =	veq.s32 v1, s22  }
0x5f: {  	v1 =	vsel vm13, $0x3F800000, v0  }
0x60: {  	[tilespmem:s20+$0xFFFFFED0] =	vst v1  }
0x61: {  	v1 =	vld [tilespmem:$0x190E0];
	_ =	sdelay $0x4  }
0x62: {  	vm14 =	veq.s32 v1, s22  }
0x63: {  	v1 =	vsel vm14, $0x3F800000, v0  }
0x64: {  	[tilespmem:s20+$0xFFFFFEE0] =	vst v1  }
0x65: {  	v1 =	vld [tilespmem:$0x190F0];
	_ =	sdelay $0x4  }
0x66: {  	vm15 =	veq.s32 v1, s22  }
0x67: {  	v1 =	vsel vm15, $0x3F800000, v0  }
0x68: {  	[tilespmem:s20+$0xFFFFFEF0] =	vst v1  }
0x69: {  	v1 =	vld [tilespmem:$0x19100];
	_ =	sdelay $0x4  }
0x6a: {  	vm4 =	veq.s32 v1, s22  }
0x6b: {  	v1 =	vsel vm4, $0x3F800000, v0  }
0x6c: {  	[tilespmem:s20+$0xFFFFFF00] =	vst v1  }
0x6d: {  	v1 =	vld [tilespmem:$0x19110];
	_ =	sdelay $0x4  }
0x6e: {  	vm5 =	veq.s32 v1, s22  }
0x6f: {  	v1 =	vsel vm5, $0x3F800000, v0  }
0x70: {  	[tilespmem:s20+$0xFFFFFF10] =	vst v1  }
0x71: {  	v1 =	vld [tilespmem:$0x19120];
	_ =	sdelay $0x4  }
0x72: {  	vm6 =	veq.s32 v1, s22  }
0x73: {  	v1 =	vsel vm6, $0x3F800000, v0  }
0x74: {  	[tilespmem:s20+$0xFFFFFF20] =	vst v1  }
0x75: {  	v1 =	vld [tilespmem:$0x19130];
	_ =	sdelay $0x4  }
0x76: {  	vm7 =	veq.s32 v1, s22  }
0x77: {  	v1 =	vsel vm7, $0x3F800000, v0  }
0x78: {  	[tilespmem:s20+$0xFFFFFF30] =	vst v1  }
0x79: {  	v1 =	vld [tilespmem:$0x19140];
	_ =	sdelay $0x4  }
0x7a: {  	vm8 =	veq.s32 v1, s22  }
0x7b: {  	v1 =	vsel vm8, $0x3F800000, v0  }
0x7c: {  	[tilespmem:s20+$0xFFFFFF40] =	vst v1  }
0x7d: {  	v1 =	vld [tilespmem:$0x19150];
	_ =	sdelay $0x4  }
0x7e: {  	vm9 =	veq.s32 v1, s22  }
0x7f: {  	v1 =	vsel vm9, $0x3F800000, v0  }
0x80: {  	[tilespmem:s20+$0xFFFFFF50] =	vst v1  }
0x81: {  	v1 =	vld [tilespmem:$0x19160];
	_ =	sdelay $0x4  }
0x82: {  	vm10 =	veq.s32 v1, s22  }
0x83: {  	v1 =	vsel vm10, $0x3F800000, v0  }
0x84: {  	[tilespmem:s20+$0xFFFFFF60] =	vst v1  }
0x85: {  	v1 =	vld [tilespmem:$0x19170];
	_ =	sdelay $0x4  }
0x86: {  	vm11 =	veq.s32 v1, s22  }
0x87: {  	v1 =	vsel vm11, $0x3F800000, v0  }
0x88: {  	[tilespmem:s20+$0xFFFFFF70] =	vst v1  }
0x89: {  	v1 =	vld [tilespmem:$0x19180];
	_ =	sdelay $0x4  }
0x8a: {  	vm12 =	veq.s32 v1, s22  }
0x8b: {  	v1 =	vsel vm12, $0x3F800000, v0  }
0x8c: {  	[tilespmem:s20+$0xFFFFFF80] =	vst v1  }
0x8d: {  	v1 =	vld [tilespmem:$0x19190];
	_ =	sdelay $0x4  }
0x8e: {  	vm13 =	veq.s32 v1, s22  }
0x8f: {  	v1 =	vsel vm13, $0x3F800000, v0  }
0x90: {  	[tilespmem:s20+$0xFFFFFF90] =	vst v1  }
0x91: {  	v1 =	vld [tilespmem:$0x191A0];
	_ =	sdelay $0x4  }
0x92: {  	vm14 =	veq.s32 v1, s22  }
0x93: {  	v1 =	vsel vm14, $0x3F800000, v0  }
0x94: {  	[tilespmem:s20+$0xFFFFFFA0] =	vst v1  }
0x95: {  	v1 =	vld [tilespmem:$0x191B0];
	_ =	sdelay $0x4  }
0x96: {  	vm15 =	veq.s32 v1, s22  }
0x97: {  	v1 =	vsel vm15, $0x3F800000, v0  }
0x98: {  	[tilespmem:s20+$0xFFFFFFB0] =	vst v1  }
0x99: {  	v1 =	vld [tilespmem:$0x191C0];
	_ =	sdelay $0x4  }
0x9a: {  	vm4 =	veq.s32 v1, s22  }
0x9b: {  	v1 =	vsel vm4, $0x3F800000, v0  }
0x9c: {  	[tilespmem:s20+$0xFFFFFFC0] =	vst v1  }
0x9d: {  	v1 =	vld [tilespmem:$0x191D0];
	_ =	sdelay $0x4  }
0x9e: {  	vm5 =	veq.s32 v1, s22  }
0x9f: {  	v1 =	vsel vm5, $0x3F800000, v0  }
0xa0: {  	[tilespmem:s20+$0xFFFFFFD0] =	vst v1  }
0xa1: {  	v1 =	vld [tilespmem:$0x191E0];
	_ =	sdelay $0x4  }
0xa2: {  	vm6 =	veq.s32 v1, s22  }
0xa3: {  	v1 =	vsel vm6, $0x3F800000, v0  }
0xa4: {  	[tilespmem:s20+$0xFFFFFFE0] =	vst v1  }
0xa5: {  	v1 =	vld [tilespmem:$0x191F0];
	_ =	sdelay $0x4  }
0xa6: {  	vm7 =	veq.s32 v1, s22  }
0xa7: {  	v1 =	vsel vm7, $0x3F800000, v0  }
0xa8: {  	[tilespmem:s20+$0xFFFFFFF0] =	vst v1  }
0xa9: {  	v1 =	vld [tilespmem:$0x19200];
	_ =	sdelay $0x4  }
0xaa: {  	vm8 =	veq.s32 v1, s22  }
0xab: {  	v1 =	vsel vm8, $0x3F800000, v0  }
0xac: {  	[tilespmem:s20+$0x0] =	vst v1  }
0xad: {  	v1 =	vld [tilespmem:$0x19210];
	_ =	sdelay $0x4  }
0xae: {  	vm9 =	veq.s32 v1, s22  }
0xaf: {  	v1 =	vsel vm9, $0x3F800000, v0  }
0xb0: {  	[tilespmem:s20+$0x10] =	vst v1  }
0xb1: {  	v1 =	vld [tilespmem:$0x19220];
	_ =	sdelay $0x4  }
0xb2: {  	vm10 =	veq.s32 v1, s22  }
0xb3: {  	v1 =	vsel vm10, $0x3F800000, v0  }
0xb4: {  	[tilespmem:s20+$0x20] =	vst v1  }
0xb5: {  	v1 =	vld [tilespmem:$0x19230];
	_ =	sdelay $0x4  }
0xb6: {  	vm11 =	veq.s32 v1, s22  }
0xb7: {  	v1 =	vsel vm11, $0x3F800000, v0  }
0xb8: {  	[tilespmem:s20+$0x30] =	vst v1  }
0xb9: {  	v1 =	vld [tilespmem:$0x19240];
	_ =	sdelay $0x4  }
0xba: {  	vm12 =	veq.s32 v1, s22  }
0xbb: {  	v1 =	vsel vm12, $0x3F800000, v0  }
0xbc: {  	[tilespmem:s20+$0x40] =	vst v1  }
0xbd: {  	v1 =	vld [tilespmem:$0x19250];
	_ =	sdelay $0x4  }
0xbe: {  	vm13 =	veq.s32 v1, s22  }
0xbf: {  	v1 =	vsel vm13, $0x3F800000, v0  }
0xc0: {  	[tilespmem:s20+$0x50] =	vst v1  }
0xc1: {  	v1 =	vld [tilespmem:$0x19260];
	_ =	sdelay $0x4  }
0xc2: {  	vm14 =	veq.s32 v1, s22  }
0xc3: {  	v1 =	vsel vm14, $0x3F800000, v0  }
0xc4: {  	[tilespmem:s20+$0x60] =	vst v1  }
0xc5: {  	v1 =	vld [tilespmem:$0x19270];
	_ =	sdelay $0x4  }
0xc6: {  	vm15 =	veq.s32 v1, s22  }
0xc7: {  	v1 =	vsel vm15, $0x3F800000, v0  }
0xc8: {  	[tilespmem:s20+$0x70] =	vst v1  }
0xc9: {  	v1 =	vld [tilespmem:$0x19280];
	_ =	sdelay $0x4  }
0xca: {  	vm4 =	veq.s32 v1, s22  }
0xcb: {  	v1 =	vsel vm4, $0x3F800000, v0  }
0xcc: {  	[tilespmem:s20+$0x80] =	vst v1  }
0xcd: {  	v1 =	vld [tilespmem:$0x19290];
	_ =	sdelay $0x4  }
0xce: {  	vm5 =	veq.s32 v1, s22  }
0xcf: {  	v1 =	vsel vm5, $0x3F800000, v0  }
0xd0: {  	[tilespmem:s20+$0x90] =	vst v1  }
0xd1: {  	v1 =	vld [tilespmem:$0x192A0];
	_ =	sdelay $0x4  }
0xd2: {  	vm6 =	veq.s32 v1, s22  }
0xd3: {  	v1 =	vsel vm6, $0x3F800000, v0  }
0xd4: {  	[tilespmem:s20+$0xA0] =	vst v1  }
0xd5: {  	v1 =	vld [tilespmem:$0x192B0];
	_ =	sdelay $0x4  }
0xd6: {  	vm7 =	veq.s32 v1, s22  }
0xd7: {  	v1 =	vsel vm7, $0x3F800000, v0  }
0xd8: {  	[tilespmem:s20+$0xB0] =	vst v1  }
0xd9: {  	v1 =	vld [tilespmem:$0x192C0];
	_ =	sdelay $0x4  }
0xda: {  	vm8 =	veq.s32 v1, s22  }
0xdb: {  	v1 =	vsel vm8, $0x3F800000, v0  }
0xdc: {  	[tilespmem:s20+$0xC0] =	vst v1  }
0xdd: {  	v1 =	vld [tilespmem:$0x192D0];
	_ =	sdelay $0x4  }
0xde: {  	vm9 =	veq.s32 v1, s22  }
0xdf: {  	v1 =	vsel vm9, $0x3F800000, v0  }
0xe0: {  	[tilespmem:s20+$0xD0] =	vst v1  }
0xe1: {  	v1 =	vld [tilespmem:$0x192E0];
	_ =	sdelay $0x4  }
0xe2: {  	vm10 =	veq.s32 v1, s22  }
0xe3: {  	v1 =	vsel vm10, $0x3F800000, v0  }
0xe4: {  	[tilespmem:s20+$0xE0] =	vst v1  }
0xe5: {  	v1 =	vld [tilespmem:$0x192F0];
	_ =	sdelay $0x4  }
0xe6: {  	vm11 =	veq.s32 v1, s22  }
0xe7: {  	v1 =	vsel vm11, $0x3F800000, v0  }
0xe8: {  	[tilespmem:s20+$0xF0] =	vst v1  }
0xe9: {  	v1 =	vld [tilespmem:$0x19300];
	_ =	sdelay $0x4  }
0xea: {  	vm12 =	veq.s32 v1, s22  }
0xeb: {  	v1 =	vsel vm12, $0x3F800000, v0  }
0xec: {  	[tilespmem:s20+$0x100] =	vst v1  }
0xed: {  	v1 =	vld [tilespmem:$0x19310];
	_ =	sdelay $0x4  }
0xee: {  	vm13 =	veq.s32 v1, s22  }
0xef: {  	v1 =	vsel vm13, $0x3F800000, v0  }
0xf0: {  	[tilespmem:s20+$0x110] =	vst v1  }
0xf1: {  	v1 =	vld [tilespmem:$0x19320];
	_ =	sdelay $0x4  }
0xf2: {  	vm14 =	veq.s32 v1, s22  }
0xf3: {  	v1 =	vsel vm14, $0x3F800000, v0  }
0xf4: {  	[tilespmem:s20+$0x120] =	vst v1  }
0xf5: {  	v1 =	vld [tilespmem:$0x19330];
	_ =	sdelay $0x4  }
0xf6: {  	vm15 =	veq.s32 v1, s22  }
0xf7: {  	v1 =	vsel vm15, $0x3F800000, v0  }
0xf8: {  	[tilespmem:s20+$0x130] =	vst v1  }
0xf9: {  	v1 =	vld [tilespmem:$0x19340];
	_ =	sdelay $0x4  }
0xfa: {  	vm4 =	veq.s32 v1, s22  }
0xfb: {  	v1 =	vsel vm4, $0x3F800000, v0  }
0xfc: {  	[tilespmem:s20+$0x140] =	vst v1  }
0xfd: {  	v1 =	vld [tilespmem:$0x19350];
	_ =	sdelay $0x4  }
0xfe: {  	vm5 =	veq.s32 v1, s22  }
0xff: {  	v1 =	vsel vm5, $0x3F800000, v0  }
0x100: {  	[tilespmem:s20+$0x150] =	vst v1  }
0x101: {  	v1 =	vld [tilespmem:$0x19360];
	_ =	sdelay $0x4  }
0x102: {  	vm6 =	veq.s32 v1, s22  }
0x103: {  	v1 =	vsel vm6, $0x3F800000, v0  }
0x104: {  	[tilespmem:s20+$0x160] =	vst v1  }
0x105: {  	v1 =	vld [tilespmem:$0x19370];
	_ =	sdelay $0x4  }
0x106: {  	vm7 =	veq.s32 v1, s22  }
0x107: {  	v1 =	vsel vm7, $0x3F800000, v0  }
0x108: {  	[tilespmem:s20+$0x170] =	vst v1  }
0x109: {  	v1 =	vld [tilespmem:$0x19380];
	_ =	sdelay $0x4  }
0x10a: {  	vm8 =	veq.s32 v1, s22  }
0x10b: {  	v1 =	vsel vm8, $0x3F800000, v0  }
0x10c: {  	[tilespmem:s20+$0x180] =	vst v1  }
0x10d: {  	v1 =	vld [tilespmem:$0x19390];
	_ =	sdelay $0x4  }
0x10e: {  	vm9 =	veq.s32 v1, s22  }
0x10f: {  	v1 =	vsel vm9, $0x3F800000, v0  }
0x110: {  	[tilespmem:s20+$0x190] =	vst v1  }
0x111: {  	v1 =	vld [tilespmem:$0x193A0];
	_ =	sdelay $0x4  }
0x112: {  	vm10 =	veq.s32 v1, s22  }
0x113: {  	v1 =	vsel vm10, $0x3F800000, v0  }
0x114: {  	[tilespmem:s20+$0x1A0] =	vst v1  }
0x115: {  	v1 =	vld [tilespmem:$0x193B0];
	_ =	sdelay $0x4  }
0x116: {  	vm11 =	veq.s32 v1, s22  }
0x117: {  	v1 =	vsel vm11, $0x3F800000, v0  }
0x118: {  	[tilespmem:s20+$0x1B0] =	vst v1  }
0x119: {  	v1 =	vld [tilespmem:$0x193C0];
	_ =	sdelay $0x4  }
0x11a: {  	vm12 =	veq.s32 v1, s22  }
0x11b: {  	v1 =	vsel vm12, $0x3F800000, v0  }
0x11c: {  	[tilespmem:s20+$0x1C0] =	vst v1  }
0x11d: {  	v1 =	vld [tilespmem:$0x193D0];
	_ =	sdelay $0x4  }
0x11e: {  	vm13 =	veq.s32 v1, s22  }
0x11f: {  	v1 =	vsel vm13, $0x3F800000, v0  }
0x120: {  	[tilespmem:s20+$0x1D0] =	vst v1  }
0x121: {  	v1 =	vld [tilespmem:$0x193E0];
	_ =	sdelay $0x4  }
0x122: {  	vm14 =	veq.s32 v1, s22  }
0x123: {  	v1 =	vsel vm14, $0x3F800000, v0  }
0x124: {  	[tilespmem:s20+$0x1E0] =	vst v1  }
0x125: {  	v1 =	vld [tilespmem:$0x193F0]  }
0x126: {  	s31 =	sor.u32 s3, s21  }
0x127: {  	s23 =	smulhi.u32 $0x66666667, s31;
	_ =	sdelay $0x1  }
0x128: {  	s23 =	sshrl.u32 s23, $0x3  }
0x129: {  	s23 =	smul.u32 $0x14, s23;
	vm15 =	veq.s32 v1, s22  }
0x12a: {  	v1 =	vsel vm15, $0x3F800000, v0  }
0x12b: {  	s21 =	ssub.s32 s31, s23;
	[tilespmem:s20+$0x1F0] =	vst v1  }
0x12c: {  	s23 =	simm.s32 $0x2;
	s21 =	smul.u32 $0x32, s21;
	s22 =	simm.s32 $0x1;
	v1 =	vld [tilespmem:$0x19000]  }
.LBB2_4:
0x12d: {  	p0 =	sne.s32 s23, $0x31;
	_ =	sdelay $0x2  }
0x12e: {  	s24 =	sadd.s32 s22, s19;
	s22 =	smov.u32 s23  }
0x12f: {  	vm0 =	veq.s32 v1, s24  }
0x130: {  	s20 =	sadd.s32 $0x400, s20;
	v1 =	vsel vm0, $0x3F800000, v0  }
0x131: {  	[tilespmem:s20+$0xFFFFFE00] =	vst v1  }
0x132: {  	v1 =	vld [tilespmem:$0x19010];
	_ =	sdelay $0x4  }
0x133: {  	vm0 =	veq.s32 v1, s24  }
0x134: {  	v1 =	vsel vm0, $0x3F800000, v0  }
0x135: {  	[tilespmem:s20+$0xFFFFFE10] =	vst v1  }
0x136: {  	v1 =	vld [tilespmem:$0x19020];
	_ =	sdelay $0x4  }
0x137: {  	vm0 =	veq.s32 v1, s24  }
0x138: {  	v1 =	vsel vm0, $0x3F800000, v0  }
0x139: {  	[tilespmem:s20+$0xFFFFFE20] =	vst v1  }
0x13a: {  	v1 =	vld [tilespmem:$0x19030];
	_ =	sdelay $0x4  }
0x13b: {  	vm0 =	veq.s32 v1, s24  }
0x13c: {  	v1 =	vsel vm0, $0x3F800000, v0  }
0x13d: {  	[tilespmem:s20+$0xFFFFFE30] =	vst v1  }
0x13e: {  	v1 =	vld [tilespmem:$0x19040];
	_ =	sdelay $0x4  }
0x13f: {  	vm0 =	veq.s32 v1, s24  }
0x140: {  	v1 =	vsel vm0, $0x3F800000, v0  }
0x141: {  	[tilespmem:s20+$0xFFFFFE40] =	vst v1  }
0x142: {  	v1 =	vld [tilespmem:$0x19050];
	_ =	sdelay $0x4  }
0x143: {  	vm0 =	veq.s32 v1, s24  }
0x144: {  	v1 =	vsel vm0, $0x3F800000, v0  }
0x145: {  	[tilespmem:s20+$0xFFFFFE50] =	vst v1  }
0x146: {  	v1 =	vld [tilespmem:$0x19060];
	_ =	sdelay $0x4  }
0x147: {  	vm0 =	veq.s32 v1, s24  }
0x148: {  	v1 =	vsel vm0, $0x3F800000, v0  }
0x149: {  	[tilespmem:s20+$0xFFFFFE60] =	vst v1  }
0x14a: {  	v1 =	vld [tilespmem:$0x19070];
	_ =	sdelay $0x4  }
0x14b: {  	vm0 =	veq.s32 v1, s24  }
0x14c: {  	v1 =	vsel vm0, $0x3F800000, v0  }
0x14d: {  	[tilespmem:s20+$0xFFFFFE70] =	vst v1  }
0x14e: {  	v1 =	vld [tilespmem:$0x19080];
	_ =	sdelay $0x4  }
0x14f: {  	vm0 =	veq.s32 v1, s24  }
0x150: {  	v1 =	vsel vm0, $0x3F800000, v0  }
0x151: {  	[tilespmem:s20+$0xFFFFFE80] =	vst v1  }
0x152: {  	v1 =	vld [tilespmem:$0x19090];
	_ =	sdelay $0x4  }
0x153: {  	vm0 =	veq.s32 v1, s24  }
0x154: {  	v1 =	vsel vm0, $0x3F800000, v0  }
0x155: {  	[tilespmem:s20+$0xFFFFFE90] =	vst v1  }
0x156: {  	v1 =	vld [tilespmem:$0x190A0];
	_ =	sdelay $0x4  }
0x157: {  	vm0 =	veq.s32 v1, s24  }
0x158: {  	v1 =	vsel vm0, $0x3F800000, v0  }
0x159: {  	[tilespmem:s20+$0xFFFFFEA0] =	vst v1  }
0x15a: {  	v1 =	vld [tilespmem:$0x190B0];
	_ =	sdelay $0x4  }
0x15b: {  	vm0 =	veq.s32 v1, s24  }
0x15c: {  	v1 =	vsel vm0, $0x3F800000, v0  }
0x15d: {  	[tilespmem:s20+$0xFFFFFEB0] =	vst v1  }
0x15e: {  	v1 =	vld [tilespmem:$0x190C0];
	_ =	sdelay $0x4  }
0x15f: {  	vm0 =	veq.s32 v1, s24  }
0x160: {  	v1 =	vsel vm0, $0x3F800000, v0  }
0x161: {  	[tilespmem:s20+$0xFFFFFEC0] =	vst v1  }
0x162: {  	v1 =	vld [tilespmem:$0x190D0];
	_ =	sdelay $0x4  }
0x163: {  	vm0 =	veq.s32 v1, s24  }
0x164: {  	v1 =	vsel vm0, $0x3F800000, v0  }
0x165: {  	[tilespmem:s20+$0xFFFFFED0] =	vst v1  }
0x166: {  	v1 =	vld [tilespmem:$0x190E0];
	_ =	sdelay $0x4  }
0x167: {  	vm0 =	veq.s32 v1, s24  }
0x168: {  	v1 =	vsel vm0, $0x3F800000, v0  }
0x169: {  	[tilespmem:s20+$0xFFFFFEE0] =	vst v1  }
0x16a: {  	v1 =	vld [tilespmem:$0x190F0];
	_ =	sdelay $0x4  }
0x16b: {  	vm0 =	veq.s32 v1, s24  }
0x16c: {  	v1 =	vsel vm0, $0x3F800000, v0  }
0x16d: {  	[tilespmem:s20+$0xFFFFFEF0] =	vst v1  }
0x16e: {  	v1 =	vld [tilespmem:$0x19100];
	_ =	sdelay $0x4  }
0x16f: {  	vm0 =	veq.s32 v1, s24  }
0x170: {  	v1 =	vsel vm0, $0x3F800000, v0  }
0x171: {  	[tilespmem:s20+$0xFFFFFF00] =	vst v1  }
0x172: {  	v1 =	vld [tilespmem:$0x19110];
	_ =	sdelay $0x4  }
0x173: {  	vm0 =	veq.s32 v1, s24  }
0x174: {  	v1 =	vsel vm0, $0x3F800000, v0  }
0x175: {  	[tilespmem:s20+$0xFFFFFF10] =	vst v1  }
0x176: {  	v1 =	vld [tilespmem:$0x19120];
	_ =	sdelay $0x4  }
0x177: {  	vm0 =	veq.s32 v1, s24  }
0x178: {  	v1 =	vsel vm0, $0x3F800000, v0  }
0x179: {  	[tilespmem:s20+$0xFFFFFF20] =	vst v1  }
0x17a: {  	v1 =	vld [tilespmem:$0x19130];
	_ =	sdelay $0x4  }
0x17b: {  	vm0 =	veq.s32 v1, s24  }
0x17c: {  	v1 =	vsel vm0, $0x3F800000, v0  }
0x17d: {  	[tilespmem:s20+$0xFFFFFF30] =	vst v1  }
0x17e: {  	v1 =	vld [tilespmem:$0x19140];
	_ =	sdelay $0x4  }
0x17f: {  	vm0 =	veq.s32 v1, s24  }
0x180: {  	v1 =	vsel vm0, $0x3F800000, v0  }
0x181: {  	[tilespmem:s20+$0xFFFFFF40] =	vst v1  }
0x182: {  	v1 =	vld [tilespmem:$0x19150];
	_ =	sdelay $0x4  }
0x183: {  	vm0 =	veq.s32 v1, s24  }
0x184: {  	v1 =	vsel vm0, $0x3F800000, v0  }
0x185: {  	[tilespmem:s20+$0xFFFFFF50] =	vst v1  }
0x186: {  	v1 =	vld [tilespmem:$0x19160];
	_ =	sdelay $0x4  }
0x187: {  	vm0 =	veq.s32 v1, s24  }
0x188: {  	v1 =	vsel vm0, $0x3F800000, v0  }
0x189: {  	[tilespmem:s20+$0xFFFFFF60] =	vst v1  }
0x18a: {  	v1 =	vld [tilespmem:$0x19170];
	_ =	sdelay $0x4  }
0x18b: {  	vm0 =	veq.s32 v1, s24  }
0x18c: {  	v1 =	vsel vm0, $0x3F800000, v0  }
0x18d: {  	[tilespmem:s20+$0xFFFFFF70] =	vst v1  }
0x18e: {  	v1 =	vld [tilespmem:$0x19180];
	_ =	sdelay $0x4  }
0x18f: {  	vm0 =	veq.s32 v1, s24  }
0x190: {  	v1 =	vsel vm0, $0x3F800000, v0  }
0x191: {  	[tilespmem:s20+$0xFFFFFF80] =	vst v1  }
0x192: {  	v1 =	vld [tilespmem:$0x19190];
	_ =	sdelay $0x4  }
0x193: {  	vm0 =	veq.s32 v1, s24  }
0x194: {  	v1 =	vsel vm0, $0x3F800000, v0  }
0x195: {  	[tilespmem:s20+$0xFFFFFF90] =	vst v1  }
0x196: {  	v1 =	vld [tilespmem:$0x191A0];
	_ =	sdelay $0x4  }
0x197: {  	vm0 =	veq.s32 v1, s24  }
0x198: {  	v1 =	vsel vm0, $0x3F800000, v0  }
0x199: {  	[tilespmem:s20+$0xFFFFFFA0] =	vst v1  }
0x19a: {  	v1 =	vld [tilespmem:$0x191B0];
	_ =	sdelay $0x4  }
0x19b: {  	vm0 =	veq.s32 v1, s24  }
0x19c: {  	v1 =	vsel vm0, $0x3F800000, v0  }
0x19d: {  	[tilespmem:s20+$0xFFFFFFB0] =	vst v1  }
0x19e: {  	v1 =	vld [tilespmem:$0x191C0];
	_ =	sdelay $0x4  }
0x19f: {  	vm0 =	veq.s32 v1, s24  }
0x1a0: {  	v1 =	vsel vm0, $0x3F800000, v0  }
0x1a1: {  	[tilespmem:s20+$0xFFFFFFC0] =	vst v1  }
0x1a2: {  	v1 =	vld [tilespmem:$0x191D0];
	_ =	sdelay $0x4  }
0x1a3: {  	vm0 =	veq.s32 v1, s24  }
0x1a4: {  	v1 =	vsel vm0, $0x3F800000, v0  }
0x1a5: {  	[tilespmem:s20+$0xFFFFFFD0] =	vst v1  }
0x1a6: {  	v1 =	vld [tilespmem:$0x191E0];
	_ =	sdelay $0x4  }
0x1a7: {  	vm0 =	veq.s32 v1, s24  }
0x1a8: {  	v1 =	vsel vm0, $0x3F800000, v0  }
0x1a9: {  	[tilespmem:s20+$0xFFFFFFE0] =	vst v1  }
0x1aa: {  	v1 =	vld [tilespmem:$0x191F0];
	_ =	sdelay $0x4  }
0x1ab: {  	vm0 =	veq.s32 v1, s24  }
0x1ac: {  	v1 =	vsel vm0, $0x3F800000, v0  }
0x1ad: {  	[tilespmem:s20+$0xFFFFFFF0] =	vst v1  }
0x1ae: {  	v1 =	vld [tilespmem:$0x19200];
	_ =	sdelay $0x4  }
0x1af: {  	vm0 =	veq.s32 v1, s24  }
0x1b0: {  	v1 =	vsel vm0, $0x3F800000, v0  }
0x1b1: {  	[tilespmem:s20+$0x0] =	vst v1  }
0x1b2: {  	v1 =	vld [tilespmem:$0x19210];
	_ =	sdelay $0x4  }
0x1b3: {  	vm0 =	veq.s32 v1, s24  }
0x1b4: {  	v1 =	vsel vm0, $0x3F800000, v0  }
0x1b5: {  	[tilespmem:s20+$0x10] =	vst v1  }
0x1b6: {  	v1 =	vld [tilespmem:$0x19220];
	_ =	sdelay $0x4  }
0x1b7: {  	vm0 =	veq.s32 v1, s24  }
0x1b8: {  	v1 =	vsel vm0, $0x3F800000, v0  }
0x1b9: {  	[tilespmem:s20+$0x20] =	vst v1  }
0x1ba: {  	v1 =	vld [tilespmem:$0x19230];
	_ =	sdelay $0x4  }
0x1bb: {  	vm0 =	veq.s32 v1, s24  }
0x1bc: {  	v1 =	vsel vm0, $0x3F800000, v0  }
0x1bd: {  	[tilespmem:s20+$0x30] =	vst v1  }
0x1be: {  	v1 =	vld [tilespmem:$0x19240];
	_ =	sdelay $0x4  }
0x1bf: {  	vm0 =	veq.s32 v1, s24  }
0x1c0: {  	v1 =	vsel vm0, $0x3F800000, v0  }
0x1c1: {  	[tilespmem:s20+$0x40] =	vst v1  }
0x1c2: {  	v1 =	vld [tilespmem:$0x19250];
	_ =	sdelay $0x4  }
0x1c3: {  	vm0 =	veq.s32 v1, s24  }
0x1c4: {  	v1 =	vsel vm0, $0x3F800000, v0  }
0x1c5: {  	[tilespmem:s20+$0x50] =	vst v1  }
0x1c6: {  	v1 =	vld [tilespmem:$0x19260];
	_ =	sdelay $0x4  }
0x1c7: {  	vm0 =	veq.s32 v1, s24  }
0x1c8: {  	v1 =	vsel vm0, $0x3F800000, v0  }
0x1c9: {  	[tilespmem:s20+$0x60] =	vst v1  }
0x1ca: {  	v1 =	vld [tilespmem:$0x19270];
	_ =	sdelay $0x4  }
0x1cb: {  	vm0 =	veq.s32 v1, s24  }
0x1cc: {  	v1 =	vsel vm0, $0x3F800000, v0  }
0x1cd: {  	[tilespmem:s20+$0x70] =	vst v1  }
0x1ce: {  	v1 =	vld [tilespmem:$0x19280];
	_ =	sdelay $0x4  }
0x1cf: {  	vm0 =	veq.s32 v1, s24  }
0x1d0: {  	v1 =	vsel vm0, $0x3F800000, v0  }
0x1d1: {  	[tilespmem:s20+$0x80] =	vst v1  }
0x1d2: {  	v1 =	vld [tilespmem:$0x19290];
	_ =	sdelay $0x4  }
0x1d3: {  	vm0 =	veq.s32 v1, s24  }
0x1d4: {  	v1 =	vsel vm0, $0x3F800000, v0  }
0x1d5: {  	[tilespmem:s20+$0x90] =	vst v1  }
0x1d6: {  	v1 =	vld [tilespmem:$0x192A0];
	_ =	sdelay $0x4  }
0x1d7: {  	vm0 =	veq.s32 v1, s24  }
0x1d8: {  	v1 =	vsel vm0, $0x3F800000, v0  }
0x1d9: {  	[tilespmem:s20+$0xA0] =	vst v1  }
0x1da: {  	v1 =	vld [tilespmem:$0x192B0];
	_ =	sdelay $0x4  }
0x1db: {  	vm0 =	veq.s32 v1, s24  }
0x1dc: {  	v1 =	vsel vm0, $0x3F800000, v0  }
0x1dd: {  	[tilespmem:s20+$0xB0] =	vst v1  }
0x1de: {  	v1 =	vld [tilespmem:$0x192C0];
	_ =	sdelay $0x4  }
0x1df: {  	vm0 =	veq.s32 v1, s24  }
0x1e0: {  	v1 =	vsel vm0, $0x3F800000, v0  }
0x1e1: {  	[tilespmem:s20+$0xC0] =	vst v1  }
0x1e2: {  	v1 =	vld [tilespmem:$0x192D0];
	_ =	sdelay $0x4  }
0x1e3: {  	vm0 =	veq.s32 v1, s24  }
0x1e4: {  	v1 =	vsel vm0, $0x3F800000, v0  }
0x1e5: {  	[tilespmem:s20+$0xD0] =	vst v1  }
0x1e6: {  	v1 =	vld [tilespmem:$0x192E0];
	_ =	sdelay $0x4  }
0x1e7: {  	vm0 =	veq.s32 v1, s24  }
0x1e8: {  	v1 =	vsel vm0, $0x3F800000, v0  }
0x1e9: {  	[tilespmem:s20+$0xE0] =	vst v1  }
0x1ea: {  	v1 =	vld [tilespmem:$0x192F0];
	_ =	sdelay $0x4  }
0x1eb: {  	vm0 =	veq.s32 v1, s24  }
0x1ec: {  	v1 =	vsel vm0, $0x3F800000, v0  }
0x1ed: {  	[tilespmem:s20+$0xF0] =	vst v1  }
0x1ee: {  	v1 =	vld [tilespmem:$0x19300];
	_ =	sdelay $0x4  }
0x1ef: {  	vm0 =	veq.s32 v1, s24  }
0x1f0: {  	v1 =	vsel vm0, $0x3F800000, v0  }
0x1f1: {  	[tilespmem:s20+$0x100] =	vst v1  }
0x1f2: {  	v1 =	vld [tilespmem:$0x19310];
	_ =	sdelay $0x4  }
0x1f3: {  	vm0 =	veq.s32 v1, s24  }
0x1f4: {  	v1 =	vsel vm0, $0x3F800000, v0  }
0x1f5: {  	[tilespmem:s20+$0x110] =	vst v1  }
0x1f6: {  	v1 =	vld [tilespmem:$0x19320];
	_ =	sdelay $0x4  }
0x1f7: {  	vm0 =	veq.s32 v1, s24  }
0x1f8: {  	v1 =	vsel vm0, $0x3F800000, v0  }
0x1f9: {  	[tilespmem:s20+$0x120] =	vst v1  }
0x1fa: {  	v1 =	vld [tilespmem:$0x19330];
	_ =	sdelay $0x4  }
0x1fb: {  	vm0 =	veq.s32 v1, s24  }
0x1fc: {  	v1 =	vsel vm0, $0x3F800000, v0  }
0x1fd: {  	[tilespmem:s20+$0x130] =	vst v1  }
0x1fe: {  	v1 =	vld [tilespmem:$0x19340];
	_ =	sdelay $0x4  }
0x1ff: {  	vm0 =	veq.s32 v1, s24  }
0x200: {  	v1 =	vsel vm0, $0x3F800000, v0  }
0x201: {  	[tilespmem:s20+$0x140] =	vst v1  }
0x202: {  	v1 =	vld [tilespmem:$0x19350];
	_ =	sdelay $0x4  }
0x203: {  	vm0 =	veq.s32 v1, s24  }
0x204: {  	v1 =	vsel vm0, $0x3F800000, v0  }
0x205: {  	[tilespmem:s20+$0x150] =	vst v1  }
0x206: {  	v1 =	vld [tilespmem:$0x19360];
	_ =	sdelay $0x4  }
0x207: {  	vm0 =	veq.s32 v1, s24  }
0x208: {  	v1 =	vsel vm0, $0x3F800000, v0  }
0x209: {  	[tilespmem:s20+$0x160] =	vst v1  }
0x20a: {  	v1 =	vld [tilespmem:$0x19370];
	_ =	sdelay $0x4  }
0x20b: {  	vm0 =	veq.s32 v1, s24  }
0x20c: {  	v1 =	vsel vm0, $0x3F800000, v0  }
0x20d: {  	[tilespmem:s20+$0x170] =	vst v1  }
0x20e: {  	v1 =	vld [tilespmem:$0x19380];
	_ =	sdelay $0x4  }
0x20f: {  	vm0 =	veq.s32 v1, s24  }
0x210: {  	v1 =	vsel vm0, $0x3F800000, v0  }
0x211: {  	[tilespmem:s20+$0x180] =	vst v1  }
0x212: {  	v1 =	vld [tilespmem:$0x19390];
	_ =	sdelay $0x4  }
0x213: {  	vm0 =	veq.s32 v1, s24  }
0x214: {  	v1 =	vsel vm0, $0x3F800000, v0  }
0x215: {  	[tilespmem:s20+$0x190] =	vst v1  }
0x216: {  	v1 =	vld [tilespmem:$0x193A0];
	_ =	sdelay $0x4  }
0x217: {  	vm0 =	veq.s32 v1, s24  }
0x218: {  	v1 =	vsel vm0, $0x3F800000, v0  }
0x219: {  	[tilespmem:s20+$0x1A0] =	vst v1  }
0x21a: {  	v1 =	vld [tilespmem:$0x193B0];
	_ =	sdelay $0x4  }
0x21b: {  	vm0 =	veq.s32 v1, s24  }
0x21c: {  	v1 =	vsel vm0, $0x3F800000, v0  }
0x21d: {  	[tilespmem:s20+$0x1B0] =	vst v1  }
0x21e: {  	v1 =	vld [tilespmem:$0x193C0];
	_ =	sdelay $0x4  }
0x21f: {  	vm0 =	veq.s32 v1, s24  }
0x220: {  	v1 =	vsel vm0, $0x3F800000, v0  }
0x221: {  	[tilespmem:s20+$0x1C0] =	vst v1  }
0x222: {  	v1 =	vld [tilespmem:$0x193D0];
	_ =	sdelay $0x4  }
0x223: {  	vm0 =	veq.s32 v1, s24  }
0x224: {  	v1 =	vsel vm0, $0x3F800000, v0  }
0x225: {  	[tilespmem:s20+$0x1D0] =	vst v1  }
0x226: {  	v1 =	vld [tilespmem:$0x193E0];
	_ =	sdelay $0x4  }
0x227: {  	vm0 =	veq.s32 v1, s24  }
0x228: {  	v1 =	vsel vm0, $0x3F800000, v0  }
0x229: {  	[tilespmem:s20+$0x1E0] =	vst v1  }
0x22a: {  	v1 =	vld [tilespmem:$0x193F0];
	_ =	sdelay $0x3  }
.Ltmp5:
0x22b: {  	(pc) =	sbr.rel @p0 .LBB2_4-.Ltmp5, $4  }
0x22c: {  	vm0 =	veq.s32 v1, s24  }
0x22d: {  	v1 =	vsel vm0, $0x3F800000, v0  }
0x22e: {  	[tilespmem:s20+$0x1F0] =	vst v1  }
0x22f: {  	s23 =	sadd.s32 $0x1, s23;
	v1 =	vld [tilespmem:$0x19000]  }
0x230: {  	_ =	sdelay $0x2  }
0x231: {  	s22 =	sadd.s32 s22, s19  }
0x232: {  	vm0 =	veq.s32 v1, s22  }
0x233: {  	s31 =	sadd.s32 $0x400, s20;
	v1 =	vsel vm0, $0x3F800000, v0  }
0x234: {  	[tilespmem:s31+$0xFFFFFE00] =	vst v1  }
0x235: {  	v1 =	vld [tilespmem:$0x19010];
	_ =	sdelay $0x4  }
0x236: {  	vm13 =	veq.s32 v1, s22  }
0x237: {  	v1 =	vsel vm13, $0x3F800000, v0  }
0x238: {  	[tilespmem:s31+$0xFFFFFE10] =	vst v1  }
0x239: {  	v1 =	vld [tilespmem:$0x19020];
	_ =	sdelay $0x4  }
0x23a: {  	vm14 =	veq.s32 v1, s22  }
0x23b: {  	v1 =	vsel vm14, $0x3F800000, v0  }
0x23c: {  	[tilespmem:s31+$0xFFFFFE20] =	vst v1  }
0x23d: {  	v1 =	vld [tilespmem:$0x19030];
	_ =	sdelay $0x4  }
0x23e: {  	vm15 =	veq.s32 v1, s22  }
0x23f: {  	v1 =	vsel vm15, $0x3F800000, v0  }
0x240: {  	[tilespmem:s31+$0xFFFFFE30] =	vst v1  }
0x241: {  	v1 =	vld [tilespmem:$0x19040];
	_ =	sdelay $0x4  }
0x242: {  	vm4 =	veq.s32 v1, s22  }
0x243: {  	v1 =	vsel vm4, $0x3F800000, v0  }
0x244: {  	[tilespmem:s31+$0xFFFFFE40] =	vst v1  }
0x245: {  	v1 =	vld [tilespmem:$0x19050];
	_ =	sdelay $0x4  }
0x246: {  	vm5 =	veq.s32 v1, s22  }
0x247: {  	v1 =	vsel vm5, $0x3F800000, v0  }
0x248: {  	[tilespmem:s31+$0xFFFFFE50] =	vst v1  }
0x249: {  	v1 =	vld [tilespmem:$0x19060];
	_ =	sdelay $0x4  }
0x24a: {  	vm6 =	veq.s32 v1, s22  }
0x24b: {  	v1 =	vsel vm6, $0x3F800000, v0  }
0x24c: {  	[tilespmem:s31+$0xFFFFFE60] =	vst v1  }
0x24d: {  	v1 =	vld [tilespmem:$0x19070];
	_ =	sdelay $0x4  }
0x24e: {  	vm7 =	veq.s32 v1, s22  }
0x24f: {  	v1 =	vsel vm7, $0x3F800000, v0  }
0x250: {  	[tilespmem:s31+$0xFFFFFE70] =	vst v1  }
0x251: {  	v1 =	vld [tilespmem:$0x19080];
	_ =	sdelay $0x4  }
0x252: {  	vm8 =	veq.s32 v1, s22  }
0x253: {  	v1 =	vsel vm8, $0x3F800000, v0  }
0x254: {  	[tilespmem:s31+$0xFFFFFE80] =	vst v1  }
0x255: {  	v1 =	vld [tilespmem:$0x19090];
	_ =	sdelay $0x4  }
0x256: {  	vm9 =	veq.s32 v1, s22  }
0x257: {  	v1 =	vsel vm9, $0x3F800000, v0  }
0x258: {  	[tilespmem:s31+$0xFFFFFE90] =	vst v1  }
0x259: {  	v1 =	vld [tilespmem:$0x190A0];
	_ =	sdelay $0x4  }
0x25a: {  	vm10 =	veq.s32 v1, s22  }
0x25b: {  	v1 =	vsel vm10, $0x3F800000, v0  }
0x25c: {  	[tilespmem:s31+$0xFFFFFEA0] =	vst v1  }
0x25d: {  	v1 =	vld [tilespmem:$0x190B0];
	_ =	sdelay $0x4  }
0x25e: {  	vm11 =	veq.s32 v1, s22  }
0x25f: {  	v1 =	vsel vm11, $0x3F800000, v0  }
0x260: {  	[tilespmem:s31+$0xFFFFFEB0] =	vst v1  }
0x261: {  	v1 =	vld [tilespmem:$0x190C0];
	_ =	sdelay $0x4  }
0x262: {  	vm12 =	veq.s32 v1, s22  }
0x263: {  	v1 =	vsel vm12, $0x3F800000, v0  }
0x264: {  	[tilespmem:s31+$0xFFFFFEC0] =	vst v1  }
0x265: {  	v1 =	vld [tilespmem:$0x190D0];
	_ =	sdelay $0x4  }
0x266: {  	vm13 =	veq.s32 v1, s22  }
0x267: {  	v1 =	vsel vm13, $0x3F800000, v0  }
0x268: {  	[tilespmem:s31+$0xFFFFFED0] =	vst v1  }
0x269: {  	v1 =	vld [tilespmem:$0x190E0];
	_ =	sdelay $0x4  }
0x26a: {  	vm14 =	veq.s32 v1, s22  }
0x26b: {  	v1 =	vsel vm14, $0x3F800000, v0  }
0x26c: {  	[tilespmem:s31+$0xFFFFFEE0] =	vst v1  }
0x26d: {  	v1 =	vld [tilespmem:$0x190F0];
	_ =	sdelay $0x4  }
0x26e: {  	vm15 =	veq.s32 v1, s22  }
0x26f: {  	v1 =	vsel vm15, $0x3F800000, v0  }
0x270: {  	[tilespmem:s31+$0xFFFFFEF0] =	vst v1  }
0x271: {  	v1 =	vld [tilespmem:$0x19100];
	_ =	sdelay $0x4  }
0x272: {  	vm4 =	veq.s32 v1, s22  }
0x273: {  	v1 =	vsel vm4, $0x3F800000, v0  }
0x274: {  	[tilespmem:s31+$0xFFFFFF00] =	vst v1  }
0x275: {  	v1 =	vld [tilespmem:$0x19110];
	_ =	sdelay $0x4  }
0x276: {  	vm5 =	veq.s32 v1, s22  }
0x277: {  	v1 =	vsel vm5, $0x3F800000, v0  }
0x278: {  	[tilespmem:s31+$0xFFFFFF10] =	vst v1  }
0x279: {  	v1 =	vld [tilespmem:$0x19120];
	_ =	sdelay $0x4  }
0x27a: {  	vm6 =	veq.s32 v1, s22  }
0x27b: {  	v1 =	vsel vm6, $0x3F800000, v0  }
0x27c: {  	[tilespmem:s31+$0xFFFFFF20] =	vst v1  }
0x27d: {  	v1 =	vld [tilespmem:$0x19130];
	_ =	sdelay $0x4  }
0x27e: {  	vm7 =	veq.s32 v1, s22  }
0x27f: {  	v1 =	vsel vm7, $0x3F800000, v0  }
0x280: {  	[tilespmem:s31+$0xFFFFFF30] =	vst v1  }
0x281: {  	v1 =	vld [tilespmem:$0x19140];
	_ =	sdelay $0x4  }
0x282: {  	vm8 =	veq.s32 v1, s22  }
0x283: {  	v1 =	vsel vm8, $0x3F800000, v0  }
0x284: {  	[tilespmem:s31+$0xFFFFFF40] =	vst v1  }
0x285: {  	v1 =	vld [tilespmem:$0x19150];
	_ =	sdelay $0x4  }
0x286: {  	vm9 =	veq.s32 v1, s22  }
0x287: {  	v1 =	vsel vm9, $0x3F800000, v0  }
0x288: {  	[tilespmem:s31+$0xFFFFFF50] =	vst v1  }
0x289: {  	v1 =	vld [tilespmem:$0x19160];
	_ =	sdelay $0x4  }
0x28a: {  	vm10 =	veq.s32 v1, s22  }
0x28b: {  	v1 =	vsel vm10, $0x3F800000, v0  }
0x28c: {  	[tilespmem:s31+$0xFFFFFF60] =	vst v1  }
0x28d: {  	v1 =	vld [tilespmem:$0x19170];
	_ =	sdelay $0x4  }
0x28e: {  	vm11 =	veq.s32 v1, s22  }
0x28f: {  	v1 =	vsel vm11, $0x3F800000, v0  }
0x290: {  	[tilespmem:s31+$0xFFFFFF70] =	vst v1  }
0x291: {  	v1 =	vld [tilespmem:$0x19180];
	_ =	sdelay $0x4  }
0x292: {  	vm12 =	veq.s32 v1, s22  }
0x293: {  	v1 =	vsel vm12, $0x3F800000, v0  }
0x294: {  	[tilespmem:s31+$0xFFFFFF80] =	vst v1  }
0x295: {  	v1 =	vld [tilespmem:$0x19190];
	_ =	sdelay $0x4  }
0x296: {  	vm13 =	veq.s32 v1, s22  }
0x297: {  	v1 =	vsel vm13, $0x3F800000, v0  }
0x298: {  	[tilespmem:s31+$0xFFFFFF90] =	vst v1  }
0x299: {  	v1 =	vld [tilespmem:$0x191A0];
	_ =	sdelay $0x4  }
0x29a: {  	vm14 =	veq.s32 v1, s22  }
0x29b: {  	v1 =	vsel vm14, $0x3F800000, v0  }
0x29c: {  	[tilespmem:s31+$0xFFFFFFA0] =	vst v1  }
0x29d: {  	v1 =	vld [tilespmem:$0x191B0];
	_ =	sdelay $0x4  }
0x29e: {  	vm15 =	veq.s32 v1, s22  }
0x29f: {  	v1 =	vsel vm15, $0x3F800000, v0  }
0x2a0: {  	[tilespmem:s31+$0xFFFFFFB0] =	vst v1  }
0x2a1: {  	v1 =	vld [tilespmem:$0x191C0];
	_ =	sdelay $0x4  }
0x2a2: {  	vm4 =	veq.s32 v1, s22  }
0x2a3: {  	v1 =	vsel vm4, $0x3F800000, v0  }
0x2a4: {  	[tilespmem:s31+$0xFFFFFFC0] =	vst v1  }
0x2a5: {  	v1 =	vld [tilespmem:$0x191D0];
	_ =	sdelay $0x4  }
0x2a6: {  	vm5 =	veq.s32 v1, s22  }
0x2a7: {  	v1 =	vsel vm5, $0x3F800000, v0  }
0x2a8: {  	[tilespmem:s31+$0xFFFFFFD0] =	vst v1  }
0x2a9: {  	v1 =	vld [tilespmem:$0x191E0];
	_ =	sdelay $0x4  }
0x2aa: {  	vm6 =	veq.s32 v1, s22  }
0x2ab: {  	v1 =	vsel vm6, $0x3F800000, v0  }
0x2ac: {  	[tilespmem:s31+$0xFFFFFFE0] =	vst v1  }
0x2ad: {  	v1 =	vld [tilespmem:$0x191F0];
	_ =	sdelay $0x4  }
0x2ae: {  	vm7 =	veq.s32 v1, s22  }
0x2af: {  	v1 =	vsel vm7, $0x3F800000, v0  }
0x2b0: {  	[tilespmem:s31+$0xFFFFFFF0] =	vst v1  }
0x2b1: {  	v1 =	vld [tilespmem:$0x19200];
	_ =	sdelay $0x4  }
0x2b2: {  	vm8 =	veq.s32 v1, s22  }
0x2b3: {  	v1 =	vsel vm8, $0x3F800000, v0  }
0x2b4: {  	[tilespmem:s31+$0x0] =	vst v1  }
0x2b5: {  	v1 =	vld [tilespmem:$0x19210];
	_ =	sdelay $0x4  }
0x2b6: {  	vm9 =	veq.s32 v1, s22  }
0x2b7: {  	v1 =	vsel vm9, $0x3F800000, v0  }
0x2b8: {  	[tilespmem:s31+$0x10] =	vst v1  }
0x2b9: {  	v1 =	vld [tilespmem:$0x19220];
	_ =	sdelay $0x4  }
0x2ba: {  	vm10 =	veq.s32 v1, s22  }
0x2bb: {  	v1 =	vsel vm10, $0x3F800000, v0  }
0x2bc: {  	[tilespmem:s31+$0x20] =	vst v1  }
0x2bd: {  	v1 =	vld [tilespmem:$0x19230];
	_ =	sdelay $0x4  }
0x2be: {  	vm11 =	veq.s32 v1, s22  }
0x2bf: {  	v1 =	vsel vm11, $0x3F800000, v0  }
0x2c0: {  	[tilespmem:s31+$0x30] =	vst v1  }
0x2c1: {  	v1 =	vld [tilespmem:$0x19240];
	_ =	sdelay $0x4  }
0x2c2: {  	vm12 =	veq.s32 v1, s22  }
0x2c3: {  	v1 =	vsel vm12, $0x3F800000, v0  }
0x2c4: {  	[tilespmem:s31+$0x40] =	vst v1  }
0x2c5: {  	v1 =	vld [tilespmem:$0x19250];
	_ =	sdelay $0x4  }
0x2c6: {  	vm13 =	veq.s32 v1, s22  }
0x2c7: {  	v1 =	vsel vm13, $0x3F800000, v0  }
0x2c8: {  	[tilespmem:s31+$0x50] =	vst v1  }
0x2c9: {  	v1 =	vld [tilespmem:$0x19260];
	_ =	sdelay $0x4  }
0x2ca: {  	vm14 =	veq.s32 v1, s22  }
0x2cb: {  	v1 =	vsel vm14, $0x3F800000, v0  }
0x2cc: {  	[tilespmem:s31+$0x60] =	vst v1  }
0x2cd: {  	v1 =	vld [tilespmem:$0x19270];
	_ =	sdelay $0x4  }
0x2ce: {  	vm15 =	veq.s32 v1, s22  }
0x2cf: {  	v1 =	vsel vm15, $0x3F800000, v0  }
0x2d0: {  	[tilespmem:s31+$0x70] =	vst v1  }
0x2d1: {  	v1 =	vld [tilespmem:$0x19280];
	_ =	sdelay $0x4  }
0x2d2: {  	vm4 =	veq.s32 v1, s22  }
0x2d3: {  	v1 =	vsel vm4, $0x3F800000, v0  }
0x2d4: {  	[tilespmem:s31+$0x80] =	vst v1  }
0x2d5: {  	v1 =	vld [tilespmem:$0x19290];
	_ =	sdelay $0x4  }
0x2d6: {  	vm5 =	veq.s32 v1, s22  }
0x2d7: {  	v1 =	vsel vm5, $0x3F800000, v0  }
0x2d8: {  	[tilespmem:s31+$0x90] =	vst v1  }
0x2d9: {  	v1 =	vld [tilespmem:$0x192A0];
	_ =	sdelay $0x4  }
0x2da: {  	vm6 =	veq.s32 v1, s22  }
0x2db: {  	v1 =	vsel vm6, $0x3F800000, v0  }
0x2dc: {  	[tilespmem:s31+$0xA0] =	vst v1  }
0x2dd: {  	v1 =	vld [tilespmem:$0x192B0];
	_ =	sdelay $0x4  }
0x2de: {  	vm7 =	veq.s32 v1, s22  }
0x2df: {  	v1 =	vsel vm7, $0x3F800000, v0  }
0x2e0: {  	[tilespmem:s31+$0xB0] =	vst v1  }
0x2e1: {  	v1 =	vld [tilespmem:$0x192C0];
	_ =	sdelay $0x4  }
0x2e2: {  	vm8 =	veq.s32 v1, s22  }
0x2e3: {  	v1 =	vsel vm8, $0x3F800000, v0  }
0x2e4: {  	[tilespmem:s31+$0xC0] =	vst v1  }
0x2e5: {  	v1 =	vld [tilespmem:$0x192D0];
	_ =	sdelay $0x4  }
0x2e6: {  	vm9 =	veq.s32 v1, s22  }
0x2e7: {  	v1 =	vsel vm9, $0x3F800000, v0  }
0x2e8: {  	[tilespmem:s31+$0xD0] =	vst v1  }
0x2e9: {  	v1 =	vld [tilespmem:$0x192E0];
	_ =	sdelay $0x4  }
0x2ea: {  	vm10 =	veq.s32 v1, s22  }
0x2eb: {  	v1 =	vsel vm10, $0x3F800000, v0  }
0x2ec: {  	[tilespmem:s31+$0xE0] =	vst v1  }
0x2ed: {  	v1 =	vld [tilespmem:$0x192F0];
	_ =	sdelay $0x4  }
0x2ee: {  	vm11 =	veq.s32 v1, s22  }
0x2ef: {  	v1 =	vsel vm11, $0x3F800000, v0  }
0x2f0: {  	[tilespmem:s31+$0xF0] =	vst v1  }
0x2f1: {  	v1 =	vld [tilespmem:$0x19300];
	_ =	sdelay $0x4  }
0x2f2: {  	vm12 =	veq.s32 v1, s22  }
0x2f3: {  	v1 =	vsel vm12, $0x3F800000, v0  }
0x2f4: {  	[tilespmem:s31+$0x100] =	vst v1  }
0x2f5: {  	v1 =	vld [tilespmem:$0x19310];
	_ =	sdelay $0x4  }
0x2f6: {  	vm13 =	veq.s32 v1, s22  }
0x2f7: {  	v1 =	vsel vm13, $0x3F800000, v0  }
0x2f8: {  	[tilespmem:s31+$0x110] =	vst v1  }
0x2f9: {  	v1 =	vld [tilespmem:$0x19320];
	_ =	sdelay $0x4  }
0x2fa: {  	vm14 =	veq.s32 v1, s22  }
0x2fb: {  	v1 =	vsel vm14, $0x3F800000, v0  }
0x2fc: {  	[tilespmem:s31+$0x120] =	vst v1  }
0x2fd: {  	v1 =	vld [tilespmem:$0x19330];
	_ =	sdelay $0x4  }
0x2fe: {  	vm15 =	veq.s32 v1, s22  }
0x2ff: {  	v1 =	vsel vm15, $0x3F800000, v0  }
0x300: {  	[tilespmem:s31+$0x130] =	vst v1  }
0x301: {  	v1 =	vld [tilespmem:$0x19340];
	_ =	sdelay $0x4  }
0x302: {  	vm4 =	veq.s32 v1, s22  }
0x303: {  	v1 =	vsel vm4, $0x3F800000, v0  }
0x304: {  	[tilespmem:s31+$0x140] =	vst v1  }
0x305: {  	v1 =	vld [tilespmem:$0x19350];
	_ =	sdelay $0x4  }
0x306: {  	vm5 =	veq.s32 v1, s22  }
0x307: {  	v1 =	vsel vm5, $0x3F800000, v0  }
0x308: {  	[tilespmem:s31+$0x150] =	vst v1  }
0x309: {  	v1 =	vld [tilespmem:$0x19360];
	_ =	sdelay $0x4  }
0x30a: {  	vm6 =	veq.s32 v1, s22  }
0x30b: {  	v1 =	vsel vm6, $0x3F800000, v0  }
0x30c: {  	[tilespmem:s31+$0x160] =	vst v1  }
0x30d: {  	v1 =	vld [tilespmem:$0x19370];
	_ =	sdelay $0x4  }
0x30e: {  	vm7 =	veq.s32 v1, s22  }
0x30f: {  	v1 =	vsel vm7, $0x3F800000, v0  }
0x310: {  	[tilespmem:s31+$0x170] =	vst v1  }
0x311: {  	v1 =	vld [tilespmem:$0x19380];
	_ =	sdelay $0x4  }
0x312: {  	vm8 =	veq.s32 v1, s22  }
0x313: {  	v1 =	vsel vm8, $0x3F800000, v0  }
0x314: {  	[tilespmem:s31+$0x180] =	vst v1  }
0x315: {  	v1 =	vld [tilespmem:$0x19390];
	_ =	sdelay $0x4  }
0x316: {  	vm9 =	veq.s32 v1, s22  }
0x317: {  	v1 =	vsel vm9, $0x3F800000, v0  }
0x318: {  	[tilespmem:s31+$0x190] =	vst v1  }
0x319: {  	v1 =	vld [tilespmem:$0x193A0];
	_ =	sdelay $0x4  }
0x31a: {  	vm10 =	veq.s32 v1, s22  }
0x31b: {  	v1 =	vsel vm10, $0x3F800000, v0  }
0x31c: {  	[tilespmem:s31+$0x1A0] =	vst v1  }
0x31d: {  	v1 =	vld [tilespmem:$0x193B0];
	_ =	sdelay $0x4  }
0x31e: {  	vm11 =	veq.s32 v1, s22  }
0x31f: {  	v1 =	vsel vm11, $0x3F800000, v0  }
0x320: {  	[tilespmem:s31+$0x1B0] =	vst v1  }
0x321: {  	v1 =	vld [tilespmem:$0x193C0];
	_ =	sdelay $0x4  }
0x322: {  	vm12 =	veq.s32 v1, s22  }
0x323: {  	v1 =	vsel vm12, $0x3F800000, v0  }
0x324: {  	[tilespmem:s31+$0x1C0] =	vst v1  }
0x325: {  	v1 =	vld [tilespmem:$0x193D0];
	_ =	sdelay $0x4  }
0x326: {  	vm13 =	veq.s32 v1, s22  }
0x327: {  	v1 =	vsel vm13, $0x3F800000, v0  }
0x328: {  	[tilespmem:s31+$0x1D0] =	vst v1  }
0x329: {  	v1 =	vld [tilespmem:$0x193E0];
	_ =	sdelay $0x4  }
0x32a: {  	vm14 =	veq.s32 v1, s22  }
0x32b: {  	v1 =	vsel vm14, $0x3F800000, v0  }
0x32c: {  	[tilespmem:s31+$0x1E0] =	vst v1  }
0x32d: {  	v1 =	vld [tilespmem:$0x193F0];
	_ =	sdelay $0x4  }
0x32e: {  	vm15 =	veq.s32 v1, s22  }
0x32f: {  	p0 =	seq.s32 s16, $0x0;
	s17 =	smul.u32 $0x3E8, s17;
	v1 =	vsel vm15, $0x3F800000, v0  }
.Ltmp6:
0x330: {  	s19 =	simm.s32 @!p0 $0x1;
	[tilespmem:s31+$0x1F0] =	vst v1;
	(pc) =	sbr.rel .LBB2_6-.Ltmp6, $4  }
0x331: {  	s17 =	sadd.s32 s21, s17;
	_ =	swait.ge @!p0 [sflag:s19], $0xC800  }
0x332: {  	s17 =	sshll.u32 s17, $0x7;
	[sflag:s19] =	ssyncset.done @!p0 $0x0  }
0x333: {  	s17 =	sadd.s32 s5, s17;
	[sflag:s19] =	ssyncadd.s32 @!p0 $0xFFFF3800  }
0x334: {  	[hbm4b:s17+s4] =	stream.linear.scatter [tilespmem:s18], [sflag:$0x1], $0xC800, $0x38;
	[tilespmem:$0x19400] =	vst v63  }
.LBB2_8:
0x335: {  	_ =	sfence.sel $0x180000  }
0x336: {  	[bflag:$0x0] =	sbarrier.arrive $0xFFFF  }
0x337: {  	p0 =	sne.s32 s2, $0x0;
	_ =	strace $0x90000047  }
0x338: {  	s0 =	sadd.s32 @!p0 $0x100000, s0;
	[bflag:$0x2] =	sbarrier.arrive $0xFFFF  }
0x339: {  	[sflag:s0] =	ssyncadd.tile.s32 @!p0 $0x1;
	_ =	shalt  }
.Lfunc_end2:
_tile_overlayer_lowered:
.L_overlay_start_2:
0x33a: {  	(tag) =	ssettag $0x2  }
0x33b: {  	s0 =	rddreg [dreg:$0x0];
	s2 =	stileid.u32  }
0x33c: {  	s1 =	rddreg [dreg:$0x1];
	p0 =	sne.s32 s2, $0x0  }
0x33d: {  	s3 =	rddreg [dreg:$0x2];
	[bflag:$0x3] =	sbarrier.arrive $0xFFFF;
	s2 =	simm.s32 @!p0 $0x1C02  }
0x33e: {  	[timem:s3], [sflag:s2] =	dma.local @!p0 [hbm:s0], s1  }
0x33f: {  	s0 =	simm.s32 @!p0 $0x2  }
0x340: {  	_ =	swait.ge @!p0 [sflag:s0], s1  }
0x341: {  	s1 =	ssub.s32 @!p0 $0x0, s1;
	[sflag:s0] =	ssyncset.done @!p0 $0x0  }
0x342: {  	[sflag:s0] =	ssyncadd.s32 @!p0 s1  }
0x343: {  	[bflag:$0x3] =	sbarrier.arrive $0xFFFF  }
0x344: {  	_ =	shalt  }

</sc_bundles>
